<compile_context>
chip_gen: v7x
topology: tpu7x:2x2x1
jax: 0.10.2.dev20260603
libtpu: 0.0.44.dev20260713+nightly
codegen_flags: <defaults>
</compile_context>

<pallas_src>
import jax
import jax.numpy as jnp
from jax import lax
from jax.experimental import pallas as pl
from jax.experimental.pallas import tpu as pltpu
from jax.experimental.pallas import tpu_sc as plsc

_NC = 2
_NS = 16
_NW = _NC * _NS
_BATCH = 16384
_D = 32
_BPW = _BATCH // _NW
_CHUNK = 128
_NCHUNK = _BPW // _CHUNK


def _sc_body(uidx_hbm, pidx_hbm, nidx_hbm, ue_hbm, ie_hbm, out_hbm,
             iu, ip, im, ru, rp, rn, ov, sem):
    wid = lax.axis_index("s") * _NC + lax.axis_index("c")
    rbase = wid * _NCHUNK

    pltpu.sync_copy(uidx_hbm.at[pl.ds(rbase, _NCHUNK)], iu)
    pltpu.sync_copy(pidx_hbm.at[pl.ds(rbase, _NCHUNK)], ip)
    pltpu.sync_copy(nidx_hbm.at[pl.ds(rbase, _NCHUNK)], im)

    copies = []
    for t in range(_NCHUNK):
        dst = pl.ds(t * _CHUNK, _CHUNK)
        copies.append(pltpu.async_copy(ue_hbm.at[iu.at[t]], ru.at[dst], sem))
        copies.append(pltpu.async_copy(ie_hbm.at[ip.at[t]], rp.at[dst], sem))
        copies.append(pltpu.async_copy(ie_hbm.at[im.at[t]], rn.at[dst], sem))
    for c in copies:
        c.wait()

    def group(g, carry):
        rows = g * 16 + lax.iota(jnp.int32, 16)
        acc_p = jnp.zeros((16,), jnp.float32)
        acc_n = jnp.zeros((16,), jnp.float32)
        for j in range(_D):
            col = jnp.full((16,), j, jnp.int32)
            u = plsc.load_gather(ru, [rows, col])
            p = plsc.load_gather(rp, [rows, col])
            n = plsc.load_gather(rn, [rows, col])
            acc_p = acc_p + u * p
            acc_n = acc_n + u * n
        ov[pl.ds(g * 16, 16)] = acc_n - acc_p
        return carry

    lax.fori_loop(0, _BPW // 16, group, 0)
    pltpu.sync_copy(ov, out_hbm.at[pl.ds(wid * _BPW, _BPW)])


@jax.jit
def _sc_diffs(uidx, pidx, nidx, ue, ie):
    mesh = plsc.VectorSubcoreMesh(core_axis_name="c", subcore_axis_name="s")
    return pl.kernel(
        _sc_body,
        out_type=jax.ShapeDtypeStruct((_BATCH,), jnp.float32),
        mesh=mesh,
        compiler_params=pltpu.CompilerParams(
            needs_layout_passes=False, use_tc_tiling_on_sc=False),
        scratch_types=[
            pltpu.VMEM((_NCHUNK, _CHUNK), jnp.int32),
            pltpu.VMEM((_NCHUNK, _CHUNK), jnp.int32),
            pltpu.VMEM((_NCHUNK, _CHUNK), jnp.int32),
            pltpu.VMEM((_BPW, _D), jnp.float32),
            pltpu.VMEM((_BPW, _D), jnp.float32),
            pltpu.VMEM((_BPW, _D), jnp.float32),
            pltpu.VMEM((_BPW,), jnp.float32),
            pltpu.SemaphoreType.DMA,
        ],
    )(uidx, pidx, nidx, ue, ie)


def _tc_body(x_ref, o_ref):
    x = x_ref[...]
    sp = jnp.maximum(x, 0.0) + jnp.log(1.0 + jnp.exp(-jnp.abs(x)))
    o_ref[...] = jnp.sum(sp, keepdims=True) * (1.0 / _BATCH)


@jax.jit
def _softplus_mean(diffs):
    out = pl.pallas_call(
        _tc_body,
        out_shape=jax.ShapeDtypeStruct((1, 1), jnp.float32),
    )(diffs.reshape(128, 128))
    return out[0, 0]


def kernel(users, positive_items, negative_items, user_embedding, item_embedding):
    uidx = users.reshape(128, 128)
    pidx = positive_items.reshape(128, 128)
    nidx = negative_items.reshape(128, 128)
    diffs = _sc_diffs(uidx, pidx, nidx, user_embedding, item_embedding)
    return _softplus_mean(diffs)

# --- scband reference (transcript-rebuilt; emitter-appended) ---
"""Pipeline reference for scband-bpr-31147102830647 (READ-ONLY COPY).

The authoritative reference and input builder live on the scoring server;
editing this copy changes nothing except your own understanding.
"""

import jax, jax.numpy as jnp
import numpy as np

NUM_USERS = 1000000
NUM_ITEMS = 1000000
EMBED_DIM = 32
BATCH = 16384


def setup_inputs(seed: int = 0) -> dict:
    key = jax.random.key(seed)
    k1, k2, k3, k4, k5 = jax.random.split(key, 5)
    stdv = 1.0 / np.sqrt(EMBED_DIM)
    user_embedding = jax.random.uniform(k1, (NUM_USERS, EMBED_DIM), minval=-stdv, maxval=stdv, dtype=jnp.float32)
    item_embedding = jax.random.uniform(k2, (NUM_ITEMS, EMBED_DIM), minval=-stdv, maxval=stdv, dtype=jnp.float32)
    users = jax.random.randint(k3, (BATCH,), 0, NUM_USERS, dtype=jnp.int32)
    positive_items = jax.random.randint(k4, (BATCH,), 0, NUM_ITEMS, dtype=jnp.int32)
    negative_items = jax.random.randint(k5, (BATCH,), 0, NUM_ITEMS, dtype=jnp.int32)
    return {
        "users": users,
        "positive_items": positive_items,
        "negative_items": negative_items,
        "user_embedding": user_embedding,
        "item_embedding": item_embedding,
    }


def reference(users, positive_items, negative_items, user_embedding, item_embedding):
    # Embedding lookups (gather rows) -- SparseCore-friendly
    users_embed = jnp.take(user_embedding, users, axis=0)
    pos_embed = jnp.take(item_embedding, positive_items, axis=0)
    neg_embed = jnp.take(item_embedding, negative_items, axis=0)
    positive_scores = jnp.sum(users_embed * pos_embed, axis=-1)
    negative_scores = jnp.sum(users_embed * neg_embed, axis=-1)
    mean_loss = jnp.mean(jax.nn.softplus(negative_scores - positive_scores))
    return mean_loss

if __name__ == "__main__":
    import jax
    _d = setup_inputs()
    print(jax.jit(kernel)(*tuple(_d.values())))

</pallas_src>

<mosaic_0001>
#map = affine_map<(d0, d1) -> (0, 0)>
#map1 = affine_map<(d0, d1) -> (0)>
module attributes {stable_mosaic.version = 14 : i64} {
  func.func @_sc_body(%arg0: i32, %arg1: i32, %arg2: memref<128x128xi32, #tpu.memory_space<hbm>>, %arg3: memref<128x128xi32, #tpu.memory_space<hbm>>, %arg4: memref<128x128xi32, #tpu.memory_space<hbm>>, %arg5: memref<1000000x32xf32, #tpu.memory_space<hbm>>, %arg6: memref<1000000x32xf32, #tpu.memory_space<hbm>>, %arg7: memref<16384xf32, #tpu.memory_space<hbm>>, %arg8: memref<4x128xi32, #tpu.memory_space<vmem>>, %arg9: memref<4x128xi32, #tpu.memory_space<vmem>>, %arg10: memref<4x128xi32, #tpu.memory_space<vmem>>, %arg11: memref<512x32xf32, #tpu.memory_space<vmem>>, %arg12: memref<512x32xf32, #tpu.memory_space<vmem>>, %arg13: memref<512x32xf32, #tpu.memory_space<vmem>>, %arg14: memref<512xf32, #tpu.memory_space<vmem>>, %arg15: memref<!tpu.dma_semaphore, #tpu.memory_space<semaphore_mem>>) attributes {dimension_semantics = [#tpu.dimension_semantics<core_parallel>, #tpu.dimension_semantics<subcore_parallel>], iteration_bounds = array<i64: 2, 16>, scalar_prefetch = 0 : i64, scratch_operands = 8 : i64, tpu.core_type = #tpu.core_type<sc_vector_subcore>, window_params = [{transform_indices = #map}, {transform_indices = #map}, {transform_indices = #map}, {transform_indices = #map}, {transform_indices = #map}, {transform_indices = #map1}]} {
    %mul3A = arith.constant 2 : i32
    %mul3A_0 = arith.muli %arg1, %mul3A : i32
    %add3A = arith.addi %mul3A_0, %arg0 : i32
    %mul3A_1 = arith.constant 4 : i32
    %mul3A_2 = arith.muli %add3A, %mul3A_1 : i32
    "tpu.region"() ({
      %run_scoped3A = tpu.sem_alloc : memref<!tpu.dma_semaphore, #tpu.memory_space<semaphore_mem>>
      %dma_start3A_248 = arith.constant 0 : i32
      %dma_start3A_249 = tpu.memref_slice %arg2[%mul3A_2, %dma_start3A_248] : memref<128x128xi32, #tpu.memory_space<hbm>> -> memref<4x128xi32, #tpu.memory_space<hbm>>
      %dma_start3A_250 = arith.constant 0 : i32
      %dma_start3A_251 = tpu.memref_slice %arg2[%mul3A_2, %dma_start3A_250] : memref<128x128xi32, #tpu.memory_space<hbm>> -> memref<4x128xi32, #tpu.memory_space<hbm>>
      tpu.enqueue_dma source(%dma_start3A_251 : memref<4x128xi32, #tpu.memory_space<hbm>>) target(%arg8 : memref<4x128xi32, #tpu.memory_space<vmem>>) target_semaphore(%run_scoped3A : memref<!tpu.dma_semaphore, #tpu.memory_space<semaphore_mem>>)
      %dma_wait3A_252 = arith.constant 0 : i32
      %dma_wait3A_253 = tpu.memref_slice %arg2[%mul3A_2, %dma_wait3A_252] : memref<128x128xi32, #tpu.memory_space<hbm>> -> memref<4x128xi32, #tpu.memory_space<hbm>>
      %dma_wait3A_254 = arith.constant 0 : i32
      %dma_wait3A_255 = tpu.memref_slice %arg2[%mul3A_2, %dma_wait3A_254] : memref<128x128xi32, #tpu.memory_space<hbm>> -> memref<4x128xi32, #tpu.memory_space<hbm>>
      tpu.wait_dma2 semaphore(%run_scoped3A : memref<!tpu.dma_semaphore, #tpu.memory_space<semaphore_mem>>) src(%dma_wait3A_255 : memref<4x128xi32, #tpu.memory_space<hbm>>) dst(%arg8 : memref<4x128xi32, #tpu.memory_space<vmem>>)
      tpu.yield
    }) : () -> ()
    "tpu.region"() ({
      %run_scoped3A = tpu.sem_alloc : memref<!tpu.dma_semaphore, #tpu.memory_space<semaphore_mem>>
      %dma_start3A_248 = arith.constant 0 : i32
      %dma_start3A_249 = tpu.memref_slice %arg3[%mul3A_2, %dma_start3A_248] : memref<128x128xi32, #tpu.memory_space<hbm>> -> memref<4x128xi32, #tpu.memory_space<hbm>>
      %dma_start3A_250 = arith.constant 0 : i32
      %dma_start3A_251 = tpu.memref_slice %arg3[%mul3A_2, %dma_start3A_250] : memref<128x128xi32, #tpu.memory_space<hbm>> -> memref<4x128xi32, #tpu.memory_space<hbm>>
      tpu.enqueue_dma source(%dma_start3A_251 : memref<4x128xi32, #tpu.memory_space<hbm>>) target(%arg9 : memref<4x128xi32, #tpu.memory_space<vmem>>) target_semaphore(%run_scoped3A : memref<!tpu.dma_semaphore, #tpu.memory_space<semaphore_mem>>)
      %dma_wait3A_252 = arith.constant 0 : i32
      %dma_wait3A_253 = tpu.memref_slice %arg3[%mul3A_2, %dma_wait3A_252] : memref<128x128xi32, #tpu.memory_space<hbm>> -> memref<4x128xi32, #tpu.memory_space<hbm>>
      %dma_wait3A_254 = arith.constant 0 : i32
      %dma_wait3A_255 = tpu.memref_slice %arg3[%mul3A_2, %dma_wait3A_254] : memref<128x128xi32, #tpu.memory_space<hbm>> -> memref<4x128xi32, #tpu.memory_space<hbm>>
      tpu.wait_dma2 semaphore(%run_scoped3A : memref<!tpu.dma_semaphore, #tpu.memory_space<semaphore_mem>>) src(%dma_wait3A_255 : memref<4x128xi32, #tpu.memory_space<hbm>>) dst(%arg9 : memref<4x128xi32, #tpu.memory_space<vmem>>)
      tpu.yield
    }) : () -> ()
    "tpu.region"() ({
      %run_scoped3A = tpu.sem_alloc : memref<!tpu.dma_semaphore, #tpu.memory_space<semaphore_mem>>
      %dma_start3A_248 = arith.constant 0 : i32
      %dma_start3A_249 = tpu.memref_slice %arg4[%mul3A_2, %dma_start3A_248] : memref<128x128xi32, #tpu.memory_space<hbm>> -> memref<4x128xi32, #tpu.memory_space<hbm>>
      %dma_start3A_250 = arith.constant 0 : i32
      %dma_start3A_251 = tpu.memref_slice %arg4[%mul3A_2, %dma_start3A_250] : memref<128x128xi32, #tpu.memory_space<hbm>> -> memref<4x128xi32, #tpu.memory_space<hbm>>
      tpu.enqueue_dma source(%dma_start3A_251 : memref<4x128xi32, #tpu.memory_space<hbm>>) target(%arg10 : memref<4x128xi32, #tpu.memory_space<vmem>>) target_semaphore(%run_scoped3A : memref<!tpu.dma_semaphore, #tpu.memory_space<semaphore_mem>>)
      %dma_wait3A_252 = arith.constant 0 : i32
      %dma_wait3A_253 = tpu.memref_slice %arg4[%mul3A_2, %dma_wait3A_252] : memref<128x128xi32, #tpu.memory_space<hbm>> -> memref<4x128xi32, #tpu.memory_space<hbm>>
      %dma_wait3A_254 = arith.constant 0 : i32
      %dma_wait3A_255 = tpu.memref_slice %arg4[%mul3A_2, %dma_wait3A_254] : memref<128x128xi32, #tpu.memory_space<hbm>> -> memref<4x128xi32, #tpu.memory_space<hbm>>
      tpu.wait_dma2 semaphore(%run_scoped3A : memref<!tpu.dma_semaphore, #tpu.memory_space<semaphore_mem>>) src(%dma_wait3A_255 : memref<4x128xi32, #tpu.memory_space<hbm>>) dst(%arg10 : memref<4x128xi32, #tpu.memory_space<vmem>>)
      tpu.yield
    }) : () -> ()
    %dma_start3A = arith.constant 0 : i32
    %dma_start3A_3 = arith.constant 0 : i32
    %dma_start3A_4 = arith.constant 0 : i32
    %dma_start3A_5 = tpu.memref_slice %arg11[%dma_start3A_3, %dma_start3A_4] : memref<512x32xf32, #tpu.memory_space<vmem>> -> memref<128x32xf32, #tpu.memory_space<vmem>>
    %dma_start3A_6 = arith.constant 0 : i32
    %dma_start3A_7 = tpu.memref_slice %arg8[%dma_start3A, %dma_start3A_6] : memref<4x128xi32, #tpu.memory_space<vmem>> -> memref<1x128xi32, #tpu.memory_space<vmem>>
    %dma_start3A_8 = tpu.memref_squeeze %dma_start3A_7 : memref<1x128xi32, #tpu.memory_space<vmem>> -> memref<128xi32, #tpu.memory_space<vmem>>
    %dma_start3A_9 = arith.constant 0 : i32
    %dma_start3A_10 = arith.constant 0 : i32
    %dma_start3A_11 = tpu.memref_slice %arg5[%dma_start3A_9, %dma_start3A_10] : memref<1000000x32xf32, #tpu.memory_space<hbm>> -> memref<1000000x32xf32, #tpu.memory_space<hbm>>
    tpu.enqueue_indirect_dma source(%dma_start3A_11 : memref<1000000x32xf32, #tpu.memory_space<hbm>>) target(%dma_start3A_5 : memref<128x32xf32, #tpu.memory_space<vmem>>) offsets(%dma_start3A_8 : memref<128xi32, #tpu.memory_space<vmem>>) semaphore(%arg15 : memref<!tpu.dma_semaphore, #tpu.memory_space<semaphore_mem>>)
    %dma_start3A_12 = arith.constant 0 : i32
    %dma_start3A_13 = arith.constant 0 : i32
    %dma_start3A_14 = arith.constant 0 : i32
    %dma_start3A_15 = tpu.memref_slice %arg12[%dma_start3A_13, %dma_start3A_14] : memref<512x32xf32, #tpu.memory_space<vmem>> -> memref<128x32xf32, #tpu.memory_space<vmem>>
    %dma_start3A_16 = arith.constant 0 : i32
    %dma_start3A_17 = tpu.memref_slice %arg9[%dma_start3A_12, %dma_start3A_16] : memref<4x128xi32, #tpu.memory_space<vmem>> -> memref<1x128xi32, #tpu.memory_space<vmem>>
    %dma_start3A_18 = tpu.memref_squeeze %dma_start3A_17 : memref<1x128xi32, #tpu.memory_space<vmem>> -> memref<128xi32, #tpu.memory_space<vmem>>
    %dma_start3A_19 = arith.constant 0 : i32
    %dma_start3A_20 = arith.constant 0 : i32
    %dma_start3A_21 = tpu.memref_slice %arg6[%dma_start3A_19, %dma_start3A_20] : memref<1000000x32xf32, #tpu.memory_space<hbm>> -> memref<1000000x32xf32, #tpu.memory_space<hbm>>
    tpu.enqueue_indirect_dma source(%dma_start3A_21 : memref<1000000x32xf32, #tpu.memory_space<hbm>>) target(%dma_start3A_15 : memref<128x32xf32, #tpu.memory_space<vmem>>) offsets(%dma_start3A_18 : memref<128xi32, #tpu.memory_space<vmem>>) semaphore(%arg15 : memref<!tpu.dma_semaphore, #tpu.memory_space<semaphore_mem>>)
    %dma_start3A_22 = arith.constant 0 : i32
    %dma_start3A_23 = arith.constant 0 : i32
    %dma_start3A_24 = arith.constant 0 : i32
    %dma_start3A_25 = tpu.memref_slice %arg13[%dma_start3A_23, %dma_start3A_24] : memref<512x32xf32, #tpu.memory_space<vmem>> -> memref<128x32xf32, #tpu.memory_space<vmem>>
    %dma_start3A_26 = arith.constant 0 : i32
    %dma_start3A_27 = tpu.memref_slice %arg10[%dma_start3A_22, %dma_start3A_26] : memref<4x128xi32, #tpu.memory_space<vmem>> -> memref<1x128xi32, #tpu.memory_space<vmem>>
    %dma_start3A_28 = tpu.memref_squeeze %dma_start3A_27 : memref<1x128xi32, #tpu.memory_space<vmem>> -> memref<128xi32, #tpu.memory_space<vmem>>
    %dma_start3A_29 = arith.constant 0 : i32
    %dma_start3A_30 = arith.constant 0 : i32
    %dma_start3A_31 = tpu.memref_slice %arg6[%dma_start3A_29, %dma_start3A_30] : memref<1000000x32xf32, #tpu.memory_space<hbm>> -> memref<1000000x32xf32, #tpu.memory_space<hbm>>
    tpu.enqueue_indirect_dma source(%dma_start3A_31 : memref<1000000x32xf32, #tpu.memory_space<hbm>>) target(%dma_start3A_25 : memref<128x32xf32, #tpu.memory_space<vmem>>) offsets(%dma_start3A_28 : memref<128xi32, #tpu.memory_space<vmem>>) semaphore(%arg15 : memref<!tpu.dma_semaphore, #tpu.memory_space<semaphore_mem>>)
    %dma_start3A_32 = arith.constant 1 : i32
    %dma_start3A_33 = arith.constant 128 : i32
    %dma_start3A_34 = arith.constant 0 : i32
    %dma_start3A_35 = tpu.memref_slice %arg11[%dma_start3A_33, %dma_start3A_34] : memref<512x32xf32, #tpu.memory_space<vmem>> -> memref<128x32xf32, #tpu.memory_space<vmem>>
    %dma_start3A_36 = arith.constant 0 : i32
    %dma_start3A_37 = tpu.memref_slice %arg8[%dma_start3A_32, %dma_start3A_36] : memref<4x128xi32, #tpu.memory_space<vmem>> -> memref<1x128xi32, #tpu.memory_space<vmem>>
    %dma_start3A_38 = tpu.memref_squeeze %dma_start3A_37 : memref<1x128xi32, #tpu.memory_space<vmem>> -> memref<128xi32, #tpu.memory_space<vmem>>
    %dma_start3A_39 = arith.constant 0 : i32
    %dma_start3A_40 = arith.constant 0 : i32
    %dma_start3A_41 = tpu.memref_slice %arg5[%dma_start3A_39, %dma_start3A_40] : memref<1000000x32xf32, #tpu.memory_space<hbm>> -> memref<1000000x32xf32, #tpu.memory_space<hbm>>
    tpu.enqueue_indirect_dma source(%dma_start3A_41 : memref<1000000x32xf32, #tpu.memory_space<hbm>>) target(%dma_start3A_35 : memref<128x32xf32, #tpu.memory_space<vmem>>) offsets(%dma_start3A_38 : memref<128xi32, #tpu.memory_space<vmem>>) semaphore(%arg15 : memref<!tpu.dma_semaphore, #tpu.memory_space<semaphore_mem>>)
    %dma_start3A_42 = arith.constant 1 : i32
    %dma_start3A_43 = arith.constant 128 : i32
    %dma_start3A_44 = arith.constant 0 : i32
    %dma_start3A_45 = tpu.memref_slice %arg12[%dma_start3A_43, %dma_start3A_44] : memref<512x32xf32, #tpu.memory_space<vmem>> -> memref<128x32xf32, #tpu.memory_space<vmem>>
    %dma_start3A_46 = arith.constant 0 : i32
    %dma_start3A_47 = tpu.memref_slice %arg9[%dma_start3A_42, %dma_start3A_46] : memref<4x128xi32, #tpu.memory_space<vmem>> -> memref<1x128xi32, #tpu.memory_space<vmem>>
    %dma_start3A_48 = tpu.memref_squeeze %dma_start3A_47 : memref<1x128xi32, #tpu.memory_space<vmem>> -> memref<128xi32, #tpu.memory_space<vmem>>
    %dma_start3A_49 = arith.constant 0 : i32
    %dma_start3A_50 = arith.constant 0 : i32
    %dma_start3A_51 = tpu.memref_slice %arg6[%dma_start3A_49, %dma_start3A_50] : memref<1000000x32xf32, #tpu.memory_space<hbm>> -> memref<1000000x32xf32, #tpu.memory_space<hbm>>
    tpu.enqueue_indirect_dma source(%dma_start3A_51 : memref<1000000x32xf32, #tpu.memory_space<hbm>>) target(%dma_start3A_45 : memref<128x32xf32, #tpu.memory_space<vmem>>) offsets(%dma_start3A_48 : memref<128xi32, #tpu.memory_space<vmem>>) semaphore(%arg15 : memref<!tpu.dma_semaphore, #tpu.memory_space<semaphore_mem>>)
    %dma_start3A_52 = arith.constant 1 : i32
    %dma_start3A_53 = arith.constant 128 : i32
    %dma_start3A_54 = arith.constant 0 : i32
    %dma_start3A_55 = tpu.memref_slice %arg13[%dma_start3A_53, %dma_start3A_54] : memref<512x32xf32, #tpu.memory_space<vmem>> -> memref<128x32xf32, #tpu.memory_space<vmem>>
    %dma_start3A_56 = arith.constant 0 : i32
    %dma_start3A_57 = tpu.memref_slice %arg10[%dma_start3A_52, %dma_start3A_56] : memref<4x128xi32, #tpu.memory_space<vmem>> -> memref<1x128xi32, #tpu.memory_space<vmem>>
    %dma_start3A_58 = tpu.memref_squeeze %dma_start3A_57 : memref<1x128xi32, #tpu.memory_space<vmem>> -> memref<128xi32, #tpu.memory_space<vmem>>
    %dma_start3A_59 = arith.constant 0 : i32
    %dma_start3A_60 = arith.constant 0 : i32
    %dma_start3A_61 = tpu.memref_slice %arg6[%dma_start3A_59, %dma_start3A_60] : memref<1000000x32xf32, #tpu.memory_space<hbm>> -> memref<1000000x32xf32, #tpu.memory_space<hbm>>
    tpu.enqueue_indirect_dma source(%dma_start3A_61 : memref<1000000x32xf32, #tpu.memory_space<hbm>>) target(%dma_start3A_55 : memref<128x32xf32, #tpu.memory_space<vmem>>) offsets(%dma_start3A_58 : memref<128xi32, #tpu.memory_space<vmem>>) semaphore(%arg15 : memref<!tpu.dma_semaphore, #tpu.memory_space<semaphore_mem>>)
    %dma_start3A_62 = arith.constant 2 : i32
    %dma_start3A_63 = arith.constant 256 : i32
    %dma_start3A_64 = arith.constant 0 : i32
    %dma_start3A_65 = tpu.memref_slice %arg11[%dma_start3A_63, %dma_start3A_64] : memref<512x32xf32, #tpu.memory_space<vmem>> -> memref<128x32xf32, #tpu.memory_space<vmem>>
    %dma_start3A_66 = arith.constant 0 : i32
    %dma_start3A_67 = tpu.memref_slice %arg8[%dma_start3A_62, %dma_start3A_66] : memref<4x128xi32, #tpu.memory_space<vmem>> -> memref<1x128xi32, #tpu.memory_space<vmem>>
    %dma_start3A_68 = tpu.memref_squeeze %dma_start3A_67 : memref<1x128xi32, #tpu.memory_space<vmem>> -> memref<128xi32, #tpu.memory_space<vmem>>
    %dma_start3A_69 = arith.constant 0 : i32
    %dma_start3A_70 = arith.constant 0 : i32
    %dma_start3A_71 = tpu.memref_slice %arg5[%dma_start3A_69, %dma_start3A_70] : memref<1000000x32xf32, #tpu.memory_space<hbm>> -> memref<1000000x32xf32, #tpu.memory_space<hbm>>
    tpu.enqueue_indirect_dma source(%dma_start3A_71 : memref<1000000x32xf32, #tpu.memory_space<hbm>>) target(%dma_start3A_65 : memref<128x32xf32, #tpu.memory_space<vmem>>) offsets(%dma_start3A_68 : memref<128xi32, #tpu.memory_space<vmem>>) semaphore(%arg15 : memref<!tpu.dma_semaphore, #tpu.memory_space<semaphore_mem>>)
    %dma_start3A_72 = arith.constant 2 : i32
    %dma_start3A_73 = arith.constant 256 : i32
    %dma_start3A_74 = arith.constant 0 : i32
    %dma_start3A_75 = tpu.memref_slice %arg12[%dma_start3A_73, %dma_start3A_74] : memref<512x32xf32, #tpu.memory_space<vmem>> -> memref<128x32xf32, #tpu.memory_space<vmem>>
    %dma_start3A_76 = arith.constant 0 : i32
    %dma_start3A_77 = tpu.memref_slice %arg9[%dma_start3A_72, %dma_start3A_76] : memref<4x128xi32, #tpu.memory_space<vmem>> -> memref<1x128xi32, #tpu.memory_space<vmem>>
    %dma_start3A_78 = tpu.memref_squeeze %dma_start3A_77 : memref<1x128xi32, #tpu.memory_space<vmem>> -> memref<128xi32, #tpu.memory_space<vmem>>
    %dma_start3A_79 = arith.constant 0 : i32
    %dma_start3A_80 = arith.constant 0 : i32
    %dma_start3A_81 = tpu.memref_slice %arg6[%dma_start3A_79, %dma_start3A_80] : memref<1000000x32xf32, #tpu.memory_space<hbm>> -> memref<1000000x32xf32, #tpu.memory_space<hbm>>
    tpu.enqueue_indirect_dma source(%dma_start3A_81 : memref<1000000x32xf32, #tpu.memory_space<hbm>>) target(%dma_start3A_75 : memref<128x32xf32, #tpu.memory_space<vmem>>) offsets(%dma_start3A_78 : memref<128xi32, #tpu.memory_space<vmem>>) semaphore(%arg15 : memref<!tpu.dma_semaphore, #tpu.memory_space<semaphore_mem>>)
    %dma_start3A_82 = arith.constant 2 : i32
    %dma_start3A_83 = arith.constant 256 : i32
    %dma_start3A_84 = arith.constant 0 : i32
    %dma_start3A_85 = tpu.memref_slice %arg13[%dma_start3A_83, %dma_start3A_84] : memref<512x32xf32, #tpu.memory_space<vmem>> -> memref<128x32xf32, #tpu.memory_space<vmem>>
    %dma_start3A_86 = arith.constant 0 : i32
    %dma_start3A_87 = tpu.memref_slice %arg10[%dma_start3A_82, %dma_start3A_86] : memref<4x128xi32, #tpu.memory_space<vmem>> -> memref<1x128xi32, #tpu.memory_space<vmem>>
    %dma_start3A_88 = tpu.memref_squeeze %dma_start3A_87 : memref<1x128xi32, #tpu.memory_space<vmem>> -> memref<128xi32, #tpu.memory_space<vmem>>
    %dma_start3A_89 = arith.constant 0 : i32
    %dma_start3A_90 = arith.constant 0 : i32
    %dma_start3A_91 = tpu.memref_slice %arg6[%dma_start3A_89, %dma_start3A_90] : memref<1000000x32xf32, #tpu.memory_space<hbm>> -> memref<1000000x32xf32, #tpu.memory_space<hbm>>
    tpu.enqueue_indirect_dma source(%dma_start3A_91 : memref<1000000x32xf32, #tpu.memory_space<hbm>>) target(%dma_start3A_85 : memref<128x32xf32, #tpu.memory_space<vmem>>) offsets(%dma_start3A_88 : memref<128xi32, #tpu.memory_space<vmem>>) semaphore(%arg15 : memref<!tpu.dma_semaphore, #tpu.memory_space<semaphore_mem>>)
    %dma_start3A_92 = arith.constant 3 : i32
    %dma_start3A_93 = arith.constant 384 : i32
    %dma_start3A_94 = arith.constant 0 : i32
    %dma_start3A_95 = tpu.memref_slice %arg11[%dma_start3A_93, %dma_start3A_94] : memref<512x32xf32, #tpu.memory_space<vmem>> -> memref<128x32xf32, #tpu.memory_space<vmem>>
    %dma_start3A_96 = arith.constant 0 : i32
    %dma_start3A_97 = tpu.memref_slice %arg8[%dma_start3A_92, %dma_start3A_96] : memref<4x128xi32, #tpu.memory_space<vmem>> -> memref<1x128xi32, #tpu.memory_space<vmem>>
    %dma_start3A_98 = tpu.memref_squeeze %dma_start3A_97 : memref<1x128xi32, #tpu.memory_space<vmem>> -> memref<128xi32, #tpu.memory_space<vmem>>
    %dma_start3A_99 = arith.constant 0 : i32
    %dma_start3A_100 = arith.constant 0 : i32
    %dma_start3A_101 = tpu.memref_slice %arg5[%dma_start3A_99, %dma_start3A_100] : memref<1000000x32xf32, #tpu.memory_space<hbm>> -> memref<1000000x32xf32, #tpu.memory_space<hbm>>
    tpu.enqueue_indirect_dma source(%dma_start3A_101 : memref<1000000x32xf32, #tpu.memory_space<hbm>>) target(%dma_start3A_95 : memref<128x32xf32, #tpu.memory_space<vmem>>) offsets(%dma_start3A_98 : memref<128xi32, #tpu.memory_space<vmem>>) semaphore(%arg15 : memref<!tpu.dma_semaphore, #tpu.memory_space<semaphore_mem>>)
    %dma_start3A_102 = arith.constant 3 : i32
    %dma_start3A_103 = arith.constant 384 : i32
    %dma_start3A_104 = arith.constant 0 : i32
    %dma_start3A_105 = tpu.memref_slice %arg12[%dma_start3A_103, %dma_start3A_104] : memref<512x32xf32, #tpu.memory_space<vmem>> -> memref<128x32xf32, #tpu.memory_space<vmem>>
    %dma_start3A_106 = arith.constant 0 : i32
    %dma_start3A_107 = tpu.memref_slice %arg9[%dma_start3A_102, %dma_start3A_106] : memref<4x128xi32, #tpu.memory_space<vmem>> -> memref<1x128xi32, #tpu.memory_space<vmem>>
    %dma_start3A_108 = tpu.memref_squeeze %dma_start3A_107 : memref<1x128xi32, #tpu.memory_space<vmem>> -> memref<128xi32, #tpu.memory_space<vmem>>
    %dma_start3A_109 = arith.constant 0 : i32
    %dma_start3A_110 = arith.constant 0 : i32
    %dma_start3A_111 = tpu.memref_slice %arg6[%dma_start3A_109, %dma_start3A_110] : memref<1000000x32xf32, #tpu.memory_space<hbm>> -> memref<1000000x32xf32, #tpu.memory_space<hbm>>
    tpu.enqueue_indirect_dma source(%dma_start3A_111 : memref<1000000x32xf32, #tpu.memory_space<hbm>>) target(%dma_start3A_105 : memref<128x32xf32, #tpu.memory_space<vmem>>) offsets(%dma_start3A_108 : memref<128xi32, #tpu.memory_space<vmem>>) semaphore(%arg15 : memref<!tpu.dma_semaphore, #tpu.memory_space<semaphore_mem>>)
    %dma_start3A_112 = arith.constant 3 : i32
    %dma_start3A_113 = arith.constant 384 : i32
    %dma_start3A_114 = arith.constant 0 : i32
    %dma_start3A_115 = tpu.memref_slice %arg13[%dma_start3A_113, %dma_start3A_114] : memref<512x32xf32, #tpu.memory_space<vmem>> -> memref<128x32xf32, #tpu.memory_space<vmem>>
    %dma_start3A_116 = arith.constant 0 : i32
    %dma_start3A_117 = tpu.memref_slice %arg10[%dma_start3A_112, %dma_start3A_116] : memref<4x128xi32, #tpu.memory_space<vmem>> -> memref<1x128xi32, #tpu.memory_space<vmem>>
    %dma_start3A_118 = tpu.memref_squeeze %dma_start3A_117 : memref<1x128xi32, #tpu.memory_space<vmem>> -> memref<128xi32, #tpu.memory_space<vmem>>
    %dma_start3A_119 = arith.constant 0 : i32
    %dma_start3A_120 = arith.constant 0 : i32
    %dma_start3A_121 = tpu.memref_slice %arg6[%dma_start3A_119, %dma_start3A_120] : memref<1000000x32xf32, #tpu.memory_space<hbm>> -> memref<1000000x32xf32, #tpu.memory_space<hbm>>
    tpu.enqueue_indirect_dma source(%dma_start3A_121 : memref<1000000x32xf32, #tpu.memory_space<hbm>>) target(%dma_start3A_115 : memref<128x32xf32, #tpu.memory_space<vmem>>) offsets(%dma_start3A_118 : memref<128xi32, #tpu.memory_space<vmem>>) semaphore(%arg15 : memref<!tpu.dma_semaphore, #tpu.memory_space<semaphore_mem>>)
    %dma_wait3A = arith.constant 0 : i32
    %dma_wait3A_122 = arith.constant 0 : i32
    %dma_wait3A_123 = arith.constant 0 : i32
    %dma_wait3A_124 = tpu.memref_slice %arg11[%dma_wait3A_122, %dma_wait3A_123] : memref<512x32xf32, #tpu.memory_space<vmem>> -> memref<128x32xf32, #tpu.memory_space<vmem>>
    %dma_wait3A_125 = arith.constant 0 : i32
    %dma_wait3A_126 = tpu.memref_slice %arg8[%dma_wait3A, %dma_wait3A_125] : memref<4x128xi32, #tpu.memory_space<vmem>> -> memref<1x128xi32, #tpu.memory_space<vmem>>
    %dma_wait3A_127 = tpu.memref_squeeze %dma_wait3A_126 : memref<1x128xi32, #tpu.memory_space<vmem>> -> memref<128xi32, #tpu.memory_space<vmem>>
    %dma_wait3A_128 = arith.constant 0 : i32
    %dma_wait3A_129 = arith.constant 0 : i32
    %dma_wait3A_130 = tpu.memref_slice %arg5[%dma_wait3A_128, %dma_wait3A_129] : memref<1000000x32xf32, #tpu.memory_space<hbm>> -> memref<1000000x32xf32, #tpu.memory_space<hbm>>
    tpu.wait_indirect_dma semaphore(%arg15 : memref<!tpu.dma_semaphore, #tpu.memory_space<semaphore_mem>>) src(%dma_wait3A_130 : memref<1000000x32xf32, #tpu.memory_space<hbm>>) dst(%dma_wait3A_124 : memref<128x32xf32, #tpu.memory_space<vmem>>)
    %dma_wait3A_131 = arith.constant 0 : i32
    %dma_wait3A_132 = arith.constant 0 : i32
    %dma_wait3A_133 = arith.constant 0 : i32
    %dma_wait3A_134 = tpu.memref_slice %arg12[%dma_wait3A_132, %dma_wait3A_133] : memref<512x32xf32, #tpu.memory_space<vmem>> -> memref<128x32xf32, #tpu.memory_space<vmem>>
    %dma_wait3A_135 = arith.constant 0 : i32
    %dma_wait3A_136 = tpu.memref_slice %arg9[%dma_wait3A_131, %dma_wait3A_135] : memref<4x128xi32, #tpu.memory_space<vmem>> -> memref<1x128xi32, #tpu.memory_space<vmem>>
    %dma_wait3A_137 = tpu.memref_squeeze %dma_wait3A_136 : memref<1x128xi32, #tpu.memory_space<vmem>> -> memref<128xi32, #tpu.memory_space<vmem>>
    %dma_wait3A_138 = arith.constant 0 : i32
    %dma_wait3A_139 = arith.constant 0 : i32
    %dma_wait3A_140 = tpu.memref_slice %arg6[%dma_wait3A_138, %dma_wait3A_139] : memref<1000000x32xf32, #tpu.memory_space<hbm>> -> memref<1000000x32xf32, #tpu.memory_space<hbm>>
    tpu.wait_indirect_dma semaphore(%arg15 : memref<!tpu.dma_semaphore, #tpu.memory_space<semaphore_mem>>) src(%dma_wait3A_140 : memref<1000000x32xf32, #tpu.memory_space<hbm>>) dst(%dma_wait3A_134 : memref<128x32xf32, #tpu.memory_space<vmem>>)
    %dma_wait3A_141 = arith.constant 0 : i32
    %dma_wait3A_142 = arith.constant 0 : i32
    %dma_wait3A_143 = arith.constant 0 : i32
    %dma_wait3A_144 = tpu.memref_slice %arg13[%dma_wait3A_142, %dma_wait3A_143] : memref<512x32xf32, #tpu.memory_space<vmem>> -> memref<128x32xf32, #tpu.memory_space<vmem>>
    %dma_wait3A_145 = arith.constant 0 : i32
    %dma_wait3A_146 = tpu.memref_slice %arg10[%dma_wait3A_141, %dma_wait3A_145] : memref<4x128xi32, #tpu.memory_space<vmem>> -> memref<1x128xi32, #tpu.memory_space<vmem>>
    %dma_wait3A_147 = tpu.memref_squeeze %dma_wait3A_146 : memref<1x128xi32, #tpu.memory_space<vmem>> -> memref<128xi32, #tpu.memory_space<vmem>>
    %dma_wait3A_148 = arith.constant 0 : i32
    %dma_wait3A_149 = arith.constant 0 : i32
    %dma_wait3A_150 = tpu.memref_slice %arg6[%dma_wait3A_148, %dma_wait3A_149] : memref<1000000x32xf32, #tpu.memory_space<hbm>> -> memref<1000000x32xf32, #tpu.memory_space<hbm>>
    tpu.wait_indirect_dma semaphore(%arg15 : memref<!tpu.dma_semaphore, #tpu.memory_space<semaphore_mem>>) src(%dma_wait3A_150 : memref<1000000x32xf32, #tpu.memory_space<hbm>>) dst(%dma_wait3A_144 : memref<128x32xf32, #tpu.memory_space<vmem>>)
    %dma_wait3A_151 = arith.constant 1 : i32
    %dma_wait3A_152 = arith.constant 128 : i32
    %dma_wait3A_153 = arith.constant 0 : i32
    %dma_wait3A_154 = tpu.memref_slice %arg11[%dma_wait3A_152, %dma_wait3A_153] : memref<512x32xf32, #tpu.memory_space<vmem>> -> memref<128x32xf32, #tpu.memory_space<vmem>>
    %dma_wait3A_155 = arith.constant 0 : i32
    %dma_wait3A_156 = tpu.memref_slice %arg8[%dma_wait3A_151, %dma_wait3A_155] : memref<4x128xi32, #tpu.memory_space<vmem>> -> memref<1x128xi32, #tpu.memory_space<vmem>>
    %dma_wait3A_157 = tpu.memref_squeeze %dma_wait3A_156 : memref<1x128xi32, #tpu.memory_space<vmem>> -> memref<128xi32, #tpu.memory_space<vmem>>
    %dma_wait3A_158 = arith.constant 0 : i32
    %dma_wait3A_159 = arith.constant 0 : i32
    %dma_wait3A_160 = tpu.memref_slice %arg5[%dma_wait3A_158, %dma_wait3A_159] : memref<1000000x32xf32, #tpu.memory_space<hbm>> -> memref<1000000x32xf32, #tpu.memory_space<hbm>>
    tpu.wait_indirect_dma semaphore(%arg15 : memref<!tpu.dma_semaphore, #tpu.memory_space<semaphore_mem>>) src(%dma_wait3A_160 : memref<1000000x32xf32, #tpu.memory_space<hbm>>) dst(%dma_wait3A_154 : memref<128x32xf32, #tpu.memory_space<vmem>>)
    %dma_wait3A_161 = arith.constant 1 : i32
    %dma_wait3A_162 = arith.constant 128 : i32
    %dma_wait3A_163 = arith.constant 0 : i32
    %dma_wait3A_164 = tpu.memref_slice %arg12[%dma_wait3A_162, %dma_wait3A_163] : memref<512x32xf32, #tpu.memory_space<vmem>> -> memref<128x32xf32, #tpu.memory_space<vmem>>
    %dma_wait3A_165 = arith.constant 0 : i32
    %dma_wait3A_166 = tpu.memref_slice %arg9[%dma_wait3A_161, %dma_wait3A_165] : memref<4x128xi32, #tpu.memory_space<vmem>> -> memref<1x128xi32, #tpu.memory_space<vmem>>
    %dma_wait3A_167 = tpu.memref_squeeze %dma_wait3A_166 : memref<1x128xi32, #tpu.memory_space<vmem>> -> memref<128xi32, #tpu.memory_space<vmem>>
    %dma_wait3A_168 = arith.constant 0 : i32
    %dma_wait3A_169 = arith.constant 0 : i32
    %dma_wait3A_170 = tpu.memref_slice %arg6[%dma_wait3A_168, %dma_wait3A_169] : memref<1000000x32xf32, #tpu.memory_space<hbm>> -> memref<1000000x32xf32, #tpu.memory_space<hbm>>
    tpu.wait_indirect_dma semaphore(%arg15 : memref<!tpu.dma_semaphore, #tpu.memory_space<semaphore_mem>>) src(%dma_wait3A_170 : memref<1000000x32xf32, #tpu.memory_space<hbm>>) dst(%dma_wait3A_164 : memref<128x32xf32, #tpu.memory_space<vmem>>)
    %dma_wait3A_171 = arith.constant 1 : i32
    %dma_wait3A_172 = arith.constant 128 : i32
    %dma_wait3A_173 = arith.constant 0 : i32
    %dma_wait3A_174 = tpu.memref_slice %arg13[%dma_wait3A_172, %dma_wait3A_173] : memref<512x32xf32, #tpu.memory_space<vmem>> -> memref<128x32xf32, #tpu.memory_space<vmem>>
    %dma_wait3A_175 = arith.constant 0 : i32
    %dma_wait3A_176 = tpu.memref_slice %arg10[%dma_wait3A_171, %dma_wait3A_175] : memref<4x128xi32, #tpu.memory_space<vmem>> -> memref<1x128xi32, #tpu.memory_space<vmem>>
    %dma_wait3A_177 = tpu.memref_squeeze %dma_wait3A_176 : memref<1x128xi32, #tpu.memory_space<vmem>> -> memref<128xi32, #tpu.memory_space<vmem>>
    %dma_wait3A_178 = arith.constant 0 : i32
    %dma_wait3A_179 = arith.constant 0 : i32
    %dma_wait3A_180 = tpu.memref_slice %arg6[%dma_wait3A_178, %dma_wait3A_179] : memref<1000000x32xf32, #tpu.memory_space<hbm>> -> memref<1000000x32xf32, #tpu.memory_space<hbm>>
    tpu.wait_indirect_dma semaphore(%arg15 : memref<!tpu.dma_semaphore, #tpu.memory_space<semaphore_mem>>) src(%dma_wait3A_180 : memref<1000000x32xf32, #tpu.memory_space<hbm>>) dst(%dma_wait3A_174 : memref<128x32xf32, #tpu.memory_space<vmem>>)
    %dma_wait3A_181 = arith.constant 2 : i32
    %dma_wait3A_182 = arith.constant 256 : i32
    %dma_wait3A_183 = arith.constant 0 : i32
    %dma_wait3A_184 = tpu.memref_slice %arg11[%dma_wait3A_182, %dma_wait3A_183] : memref<512x32xf32, #tpu.memory_space<vmem>> -> memref<128x32xf32, #tpu.memory_space<vmem>>
    %dma_wait3A_185 = arith.constant 0 : i32
    %dma_wait3A_186 = tpu.memref_slice %arg8[%dma_wait3A_181, %dma_wait3A_185] : memref<4x128xi32, #tpu.memory_space<vmem>> -> memref<1x128xi32, #tpu.memory_space<vmem>>
    %dma_wait3A_187 = tpu.memref_squeeze %dma_wait3A_186 : memref<1x128xi32, #tpu.memory_space<vmem>> -> memref<128xi32, #tpu.memory_space<vmem>>
    %dma_wait3A_188 = arith.constant 0 : i32
    %dma_wait3A_189 = arith.constant 0 : i32
    %dma_wait3A_190 = tpu.memref_slice %arg5[%dma_wait3A_188, %dma_wait3A_189] : memref<1000000x32xf32, #tpu.memory_space<hbm>> -> memref<1000000x32xf32, #tpu.memory_space<hbm>>
    tpu.wait_indirect_dma semaphore(%arg15 : memref<!tpu.dma_semaphore, #tpu.memory_space<semaphore_mem>>) src(%dma_wait3A_190 : memref<1000000x32xf32, #tpu.memory_space<hbm>>) dst(%dma_wait3A_184 : memref<128x32xf32, #tpu.memory_space<vmem>>)
    %dma_wait3A_191 = arith.constant 2 : i32
    %dma_wait3A_192 = arith.constant 256 : i32
    %dma_wait3A_193 = arith.constant 0 : i32
    %dma_wait3A_194 = tpu.memref_slice %arg12[%dma_wait3A_192, %dma_wait3A_193] : memref<512x32xf32, #tpu.memory_space<vmem>> -> memref<128x32xf32, #tpu.memory_space<vmem>>
    %dma_wait3A_195 = arith.constant 0 : i32
    %dma_wait3A_196 = tpu.memref_slice %arg9[%dma_wait3A_191, %dma_wait3A_195] : memref<4x128xi32, #tpu.memory_space<vmem>> -> memref<1x128xi32, #tpu.memory_space<vmem>>
    %dma_wait3A_197 = tpu.memref_squeeze %dma_wait3A_196 : memref<1x128xi32, #tpu.memory_space<vmem>> -> memref<128xi32, #tpu.memory_space<vmem>>
    %dma_wait3A_198 = arith.constant 0 : i32
    %dma_wait3A_199 = arith.constant 0 : i32
    %dma_wait3A_200 = tpu.memref_slice %arg6[%dma_wait3A_198, %dma_wait3A_199] : memref<1000000x32xf32, #tpu.memory_space<hbm>> -> memref<1000000x32xf32, #tpu.memory_space<hbm>>
    tpu.wait_indirect_dma semaphore(%arg15 : memref<!tpu.dma_semaphore, #tpu.memory_space<semaphore_mem>>) src(%dma_wait3A_200 : memref<1000000x32xf32, #tpu.memory_space<hbm>>) dst(%dma_wait3A_194 : memref<128x32xf32, #tpu.memory_space<vmem>>)
    %dma_wait3A_201 = arith.constant 2 : i32
    %dma_wait3A_202 = arith.constant 256 : i32
    %dma_wait3A_203 = arith.constant 0 : i32
    %dma_wait3A_204 = tpu.memref_slice %arg13[%dma_wait3A_202, %dma_wait3A_203] : memref<512x32xf32, #tpu.memory_space<vmem>> -> memref<128x32xf32, #tpu.memory_space<vmem>>
    %dma_wait3A_205 = arith.constant 0 : i32
    %dma_wait3A_206 = tpu.memref_slice %arg10[%dma_wait3A_201, %dma_wait3A_205] : memref<4x128xi32, #tpu.memory_space<vmem>> -> memref<1x128xi32, #tpu.memory_space<vmem>>
    %dma_wait3A_207 = tpu.memref_squeeze %dma_wait3A_206 : memref<1x128xi32, #tpu.memory_space<vmem>> -> memref<128xi32, #tpu.memory_space<vmem>>
    %dma_wait3A_208 = arith.constant 0 : i32
    %dma_wait3A_209 = arith.constant 0 : i32
    %dma_wait3A_210 = tpu.memref_slice %arg6[%dma_wait3A_208, %dma_wait3A_209] : memref<1000000x32xf32, #tpu.memory_space<hbm>> -> memref<1000000x32xf32, #tpu.memory_space<hbm>>
    tpu.wait_indirect_dma semaphore(%arg15 : memref<!tpu.dma_semaphore, #tpu.memory_space<semaphore_mem>>) src(%dma_wait3A_210 : memref<1000000x32xf32, #tpu.memory_space<hbm>>) dst(%dma_wait3A_204 : memref<128x32xf32, #tpu.memory_space<vmem>>)
    %dma_wait3A_211 = arith.constant 3 : i32
    %dma_wait3A_212 = arith.constant 384 : i32
    %dma_wait3A_213 = arith.constant 0 : i32
    %dma_wait3A_214 = tpu.memref_slice %arg11[%dma_wait3A_212, %dma_wait3A_213] : memref<512x32xf32, #tpu.memory_space<vmem>> -> memref<128x32xf32, #tpu.memory_space<vmem>>
    %dma_wait3A_215 = arith.constant 0 : i32
    %dma_wait3A_216 = tpu.memref_slice %arg8[%dma_wait3A_211, %dma_wait3A_215] : memref<4x128xi32, #tpu.memory_space<vmem>> -> memref<1x128xi32, #tpu.memory_space<vmem>>
    %dma_wait3A_217 = tpu.memref_squeeze %dma_wait3A_216 : memref<1x128xi32, #tpu.memory_space<vmem>> -> memref<128xi32, #tpu.memory_space<vmem>>
    %dma_wait3A_218 = arith.constant 0 : i32
    %dma_wait3A_219 = arith.constant 0 : i32
    %dma_wait3A_220 = tpu.memref_slice %arg5[%dma_wait3A_218, %dma_wait3A_219] : memref<1000000x32xf32, #tpu.memory_space<hbm>> -> memref<1000000x32xf32, #tpu.memory_space<hbm>>
    tpu.wait_indirect_dma semaphore(%arg15 : memref<!tpu.dma_semaphore, #tpu.memory_space<semaphore_mem>>) src(%dma_wait3A_220 : memref<1000000x32xf32, #tpu.memory_space<hbm>>) dst(%dma_wait3A_214 : memref<128x32xf32, #tpu.memory_space<vmem>>)
    %dma_wait3A_221 = arith.constant 3 : i32
    %dma_wait3A_222 = arith.constant 384 : i32
    %dma_wait3A_223 = arith.constant 0 : i32
    %dma_wait3A_224 = tpu.memref_slice %arg12[%dma_wait3A_222, %dma_wait3A_223] : memref<512x32xf32, #tpu.memory_space<vmem>> -> memref<128x32xf32, #tpu.memory_space<vmem>>
    %dma_wait3A_225 = arith.constant 0 : i32
    %dma_wait3A_226 = tpu.memref_slice %arg9[%dma_wait3A_221, %dma_wait3A_225] : memref<4x128xi32, #tpu.memory_space<vmem>> -> memref<1x128xi32, #tpu.memory_space<vmem>>
    %dma_wait3A_227 = tpu.memref_squeeze %dma_wait3A_226 : memref<1x128xi32, #tpu.memory_space<vmem>> -> memref<128xi32, #tpu.memory_space<vmem>>
    %dma_wait3A_228 = arith.constant 0 : i32
    %dma_wait3A_229 = arith.constant 0 : i32
    %dma_wait3A_230 = tpu.memref_slice %arg6[%dma_wait3A_228, %dma_wait3A_229] : memref<1000000x32xf32, #tpu.memory_space<hbm>> -> memref<1000000x32xf32, #tpu.memory_space<hbm>>
    tpu.wait_indirect_dma semaphore(%arg15 : memref<!tpu.dma_semaphore, #tpu.memory_space<semaphore_mem>>) src(%dma_wait3A_230 : memref<1000000x32xf32, #tpu.memory_space<hbm>>) dst(%dma_wait3A_224 : memref<128x32xf32, #tpu.memory_space<vmem>>)
    %dma_wait3A_231 = arith.constant 3 : i32
    %dma_wait3A_232 = arith.constant 384 : i32
    %dma_wait3A_233 = arith.constant 0 : i32
    %dma_wait3A_234 = tpu.memref_slice %arg13[%dma_wait3A_232, %dma_wait3A_233] : memref<512x32xf32, #tpu.memory_space<vmem>> -> memref<128x32xf32, #tpu.memory_space<vmem>>
    %dma_wait3A_235 = arith.constant 0 : i32
    %dma_wait3A_236 = tpu.memref_slice %arg10[%dma_wait3A_231, %dma_wait3A_235] : memref<4x128xi32, #tpu.memory_space<vmem>> -> memref<1x128xi32, #tpu.memory_space<vmem>>
    %dma_wait3A_237 = tpu.memref_squeeze %dma_wait3A_236 : memref<1x128xi32, #tpu.memory_space<vmem>> -> memref<128xi32, #tpu.memory_space<vmem>>
    %dma_wait3A_238 = arith.constant 0 : i32
    %dma_wait3A_239 = arith.constant 0 : i32
    %dma_wait3A_240 = tpu.memref_slice %arg6[%dma_wait3A_238, %dma_wait3A_239] : memref<1000000x32xf32, #tpu.memory_space<hbm>> -> memref<1000000x32xf32, #tpu.memory_space<hbm>>
    tpu.wait_indirect_dma semaphore(%arg15 : memref<!tpu.dma_semaphore, #tpu.memory_space<semaphore_mem>>) src(%dma_wait3A_240 : memref<1000000x32xf32, #tpu.memory_space<hbm>>) dst(%dma_wait3A_234 : memref<128x32xf32, #tpu.memory_space<vmem>>)
    %scan3A = arith.constant 0 : i32
    %scan3A_241 = arith.constant 0 : i32
    %scan3A_242 = arith.constant 32 : i32
    %scan3A_243 = arith.addi %scan3A_241, %scan3A_242 : i32
    %scan3A_244 = arith.constant 1 : i32
    scf.for %scan3A_248 = %scan3A_241 to %scan3A_243 step %scan3A_244  : i32 {
      %mul3A_249 = arith.constant 16 : i32
      %mul3A_250 = arith.muli %scan3A_248, %mul3A_249 : i32
      %iota3A = tpu.iota {dimensions = array<i32: 0>} : vector<16xi32>
      %add3A_251 = vector.broadcast %mul3A_250 : i32 to vector<16xi32>
      %add3A_252 = arith.addi %add3A_251, %iota3A : vector<16xi32>
      %broadcast_in_dim3A = arith.constant 0.000000e+00 : f32
      %broadcast_in_dim3A_253 = vector.broadcast %broadcast_in_dim3A : f32 to vector<16xf32>
      %broadcast_in_dim3A_254 = arith.constant 0.000000e+00 : f32
      %broadcast_in_dim3A_255 = vector.broadcast %broadcast_in_dim3A_254 : f32 to vector<16xf32>
      %broadcast_in_dim3A_256 = arith.constant 0 : i32
      %broadcast_in_dim3A_257 = vector.broadcast %broadcast_in_dim3A_256 : i32 to vector<16xi32>
      %gather3A = tpu.vector_load_idx %arg11[%add3A_252, %broadcast_in_dim3A_257] : memref<512x32xf32, #tpu.memory_space<vmem>>[vector<16xi32>, vector<16xi32>], vector<16xf32>,
      %gather3A_258 = tpu.vector_load_idx %arg12[%add3A_252, %broadcast_in_dim3A_257] : memref<512x32xf32, #tpu.memory_space<vmem>>[vector<16xi32>, vector<16xi32>], vector<16xf32>,
      %gather3A_259 = tpu.vector_load_idx %arg13[%add3A_252, %broadcast_in_dim3A_257] : memref<512x32xf32, #tpu.memory_space<vmem>>[vector<16xi32>, vector<16xi32>], vector<16xf32>,
      %mul3A_260 = arith.mulf %gather3A, %gather3A_258 : vector<16xf32>
      %add3A_261 = arith.addf %broadcast_in_dim3A_253, %mul3A_260 : vector<16xf32>
      %mul3A_262 = arith.mulf %gather3A, %gather3A_259 : vector<16xf32>
      %add3A_263 = arith.addf %broadcast_in_dim3A_255, %mul3A_262 : vector<16xf32>
      %broadcast_in_dim3A_264 = arith.constant 1 : i32
      %broadcast_in_dim3A_265 = vector.broadcast %broadcast_in_dim3A_264 : i32 to vector<16xi32>
      %gather3A_266 = tpu.vector_load_idx %arg11[%add3A_252, %broadcast_in_dim3A_265] : memref<512x32xf32, #tpu.memory_space<vmem>>[vector<16xi32>, vector<16xi32>], vector<16xf32>,
      %gather3A_267 = tpu.vector_load_idx %arg12[%add3A_252, %broadcast_in_dim3A_265] : memref<512x32xf32, #tpu.memory_space<vmem>>[vector<16xi32>, vector<16xi32>], vector<16xf32>,
      %gather3A_268 = tpu.vector_load_idx %arg13[%add3A_252, %broadcast_in_dim3A_265] : memref<512x32xf32, #tpu.memory_space<vmem>>[vector<16xi32>, vector<16xi32>], vector<16xf32>,
      %mul3A_269 = arith.mulf %gather3A_266, %gather3A_267 : vector<16xf32>
      %add3A_270 = arith.addf %add3A_261, %mul3A_269 : vector<16xf32>
      %mul3A_271 = arith.mulf %gather3A_266, %gather3A_268 : vector<16xf32>
      %add3A_272 = arith.addf %add3A_263, %mul3A_271 : vector<16xf32>
      %broadcast_in_dim3A_273 = arith.constant 2 : i32
      %broadcast_in_dim3A_274 = vector.broadcast %broadcast_in_dim3A_273 : i32 to vector<16xi32>
      %gather3A_275 = tpu.vector_load_idx %arg11[%add3A_252, %broadcast_in_dim3A_274] : memref<512x32xf32, #tpu.memory_space<vmem>>[vector<16xi32>, vector<16xi32>], vector<16xf32>,
      %gather3A_276 = tpu.vector_load_idx %arg12[%add3A_252, %broadcast_in_dim3A_274] : memref<512x32xf32, #tpu.memory_space<vmem>>[vector<16xi32>, vector<16xi32>], vector<16xf32>,
      %gather3A_277 = tpu.vector_load_idx %arg13[%add3A_252, %broadcast_in_dim3A_274] : memref<512x32xf32, #tpu.memory_space<vmem>>[vector<16xi32>, vector<16xi32>], vector<16xf32>,
      %mul3A_278 = arith.mulf %gather3A_275, %gather3A_276 : vector<16xf32>
      %add3A_279 = arith.addf %add3A_270, %mul3A_278 : vector<16xf32>
      %mul3A_280 = arith.mulf %gather3A_275, %gather3A_277 : vector<16xf32>
      %add3A_281 = arith.addf %add3A_272, %mul3A_280 : vector<16xf32>
      %broadcast_in_dim3A_282 = arith.constant 3 : i32
      %broadcast_in_dim3A_283 = vector.broadcast %broadcast_in_dim3A_282 : i32 to vector<16xi32>
      %gather3A_284 = tpu.vector_load_idx %arg11[%add3A_252, %broadcast_in_dim3A_283] : memref<512x32xf32, #tpu.memory_space<vmem>>[vector<16xi32>, vector<16xi32>], vector<16xf32>,
      %gather3A_285 = tpu.vector_load_idx %arg12[%add3A_252, %broadcast_in_dim3A_283] : memref<512x32xf32, #tpu.memory_space<vmem>>[vector<16xi32>, vector<16xi32>], vector<16xf32>,
      %gather3A_286 = tpu.vector_load_idx %arg13[%add3A_252, %broadcast_in_dim3A_283] : memref<512x32xf32, #tpu.memory_space<vmem>>[vector<16xi32>, vector<16xi32>], vector<16xf32>,
      %mul3A_287 = arith.mulf %gather3A_284, %gather3A_285 : vector<16xf32>
      %add3A_288 = arith.addf %add3A_279, %mul3A_287 : vector<16xf32>
      %mul3A_289 = arith.mulf %gather3A_284, %gather3A_286 : vector<16xf32>
      %add3A_290 = arith.addf %add3A_281, %mul3A_289 : vector<16xf32>
      %broadcast_in_dim3A_291 = arith.constant 4 : i32
      %broadcast_in_dim3A_292 = vector.broadcast %broadcast_in_dim3A_291 : i32 to vector<16xi32>
      %gather3A_293 = tpu.vector_load_idx %arg11[%add3A_252, %broadcast_in_dim3A_292] : memref<512x32xf32, #tpu.memory_space<vmem>>[vector<16xi32>, vector<16xi32>], vector<16xf32>,
      %gather3A_294 = tpu.vector_load_idx %arg12[%add3A_252, %broadcast_in_dim3A_292] : memref<512x32xf32, #tpu.memory_space<vmem>>[vector<16xi32>, vector<16xi32>], vector<16xf32>,
      %gather3A_295 = tpu.vector_load_idx %arg13[%add3A_252, %broadcast_in_dim3A_292] : memref<512x32xf32, #tpu.memory_space<vmem>>[vector<16xi32>, vector<16xi32>], vector<16xf32>,
      %mul3A_296 = arith.mulf %gather3A_293, %gather3A_294 : vector<16xf32>
      %add3A_297 = arith.addf %add3A_288, %mul3A_296 : vector<16xf32>
      %mul3A_298 = arith.mulf %gather3A_293, %gather3A_295 : vector<16xf32>
      %add3A_299 = arith.addf %add3A_290, %mul3A_298 : vector<16xf32>
      %broadcast_in_dim3A_300 = arith.constant 5 : i32
      %broadcast_in_dim3A_301 = vector.broadcast %broadcast_in_dim3A_300 : i32 to vector<16xi32>
      %gather3A_302 = tpu.vector_load_idx %arg11[%add3A_252, %broadcast_in_dim3A_301] : memref<512x32xf32, #tpu.memory_space<vmem>>[vector<16xi32>, vector<16xi32>], vector<16xf32>,
      %gather3A_303 = tpu.vector_load_idx %arg12[%add3A_252, %broadcast_in_dim3A_301] : memref<512x32xf32, #tpu.memory_space<vmem>>[vector<16xi32>, vector<16xi32>], vector<16xf32>,
      %gather3A_304 = tpu.vector_load_idx %arg13[%add3A_252, %broadcast_in_dim3A_301] : memref<512x32xf32, #tpu.memory_space<vmem>>[vector<16xi32>, vector<16xi32>], vector<16xf32>,
      %mul3A_305 = arith.mulf %gather3A_302, %gather3A_303 : vector<16xf32>
      %add3A_306 = arith.addf %add3A_297, %mul3A_305 : vector<16xf32>
      %mul3A_307 = arith.mulf %gather3A_302, %gather3A_304 : vector<16xf32>
      %add3A_308 = arith.addf %add3A_299, %mul3A_307 : vector<16xf32>
      %broadcast_in_dim3A_309 = arith.constant 6 : i32
      %broadcast_in_dim3A_310 = vector.broadcast %broadcast_in_dim3A_309 : i32 to vector<16xi32>
      %gather3A_311 = tpu.vector_load_idx %arg11[%add3A_252, %broadcast_in_dim3A_310] : memref<512x32xf32, #tpu.memory_space<vmem>>[vector<16xi32>, vector<16xi32>], vector<16xf32>,
      %gather3A_312 = tpu.vector_load_idx %arg12[%add3A_252, %broadcast_in_dim3A_310] : memref<512x32xf32, #tpu.memory_space<vmem>>[vector<16xi32>, vector<16xi32>], vector<16xf32>,
      %gather3A_313 = tpu.vector_load_idx %arg13[%add3A_252, %broadcast_in_dim3A_310] : memref<512x32xf32, #tpu.memory_space<vmem>>[vector<16xi32>, vector<16xi32>], vector<16xf32>,
      %mul3A_314 = arith.mulf %gather3A_311, %gather3A_312 : vector<16xf32>
      %add3A_315 = arith.addf %add3A_306, %mul3A_314 : vector<16xf32>
      %mul3A_316 = arith.mulf %gather3A_311, %gather3A_313 : vector<16xf32>
      %add3A_317 = arith.addf %add3A_308, %mul3A_316 : vector<16xf32>
      %broadcast_in_dim3A_318 = arith.constant 7 : i32
      %broadcast_in_dim3A_319 = vector.broadcast %broadcast_in_dim3A_318 : i32 to vector<16xi32>
      %gather3A_320 = tpu.vector_load_idx %arg11[%add3A_252, %broadcast_in_dim3A_319] : memref<512x32xf32, #tpu.memory_space<vmem>>[vector<16xi32>, vector<16xi32>], vector<16xf32>,
      %gather3A_321 = tpu.vector_load_idx %arg12[%add3A_252, %broadcast_in_dim3A_319] : memref<512x32xf32, #tpu.memory_space<vmem>>[vector<16xi32>, vector<16xi32>], vector<16xf32>,
      %gather3A_322 = tpu.vector_load_idx %arg13[%add3A_252, %broadcast_in_dim3A_319] : memref<512x32xf32, #tpu.memory_space<vmem>>[vector<16xi32>, vector<16xi32>], vector<16xf32>,
      %mul3A_323 = arith.mulf %gather3A_320, %gather3A_321 : vector<16xf32>
      %add3A_324 = arith.addf %add3A_315, %mul3A_323 : vector<16xf32>
      %mul3A_325 = arith.mulf %gather3A_320, %gather3A_322 : vector<16xf32>
      %add3A_326 = arith.addf %add3A_317, %mul3A_325 : vector<16xf32>
      %broadcast_in_dim3A_327 = arith.constant 8 : i32
      %broadcast_in_dim3A_328 = vector.broadcast %broadcast_in_dim3A_327 : i32 to vector<16xi32>
      %gather3A_329 = tpu.vector_load_idx %arg11[%add3A_252, %broadcast_in_dim3A_328] : memref<512x32xf32, #tpu.memory_space<vmem>>[vector<16xi32>, vector<16xi32>], vector<16xf32>,
      %gather3A_330 = tpu.vector_load_idx %arg12[%add3A_252, %broadcast_in_dim3A_328] : memref<512x32xf32, #tpu.memory_space<vmem>>[vector<16xi32>, vector<16xi32>], vector<16xf32>,
      %gather3A_331 = tpu.vector_load_idx %arg13[%add3A_252, %broadcast_in_dim3A_328] : memref<512x32xf32, #tpu.memory_space<vmem>>[vector<16xi32>, vector<16xi32>], vector<16xf32>,
      %mul3A_332 = arith.mulf %gather3A_329, %gather3A_330 : vector<16xf32>
      %add3A_333 = arith.addf %add3A_324, %mul3A_332 : vector<16xf32>
      %mul3A_334 = arith.mulf %gather3A_329, %gather3A_331 : vector<16xf32>
      %add3A_335 = arith.addf %add3A_326, %mul3A_334 : vector<16xf32>
      %broadcast_in_dim3A_336 = arith.constant 9 : i32
      %broadcast_in_dim3A_337 = vector.broadcast %broadcast_in_dim3A_336 : i32 to vector<16xi32>
      %gather3A_338 = tpu.vector_load_idx %arg11[%add3A_252, %broadcast_in_dim3A_337] : memref<512x32xf32, #tpu.memory_space<vmem>>[vector<16xi32>, vector<16xi32>], vector<16xf32>,
      %gather3A_339 = tpu.vector_load_idx %arg12[%add3A_252, %broadcast_in_dim3A_337] : memref<512x32xf32, #tpu.memory_space<vmem>>[vector<16xi32>, vector<16xi32>], vector<16xf32>,
      %gather3A_340 = tpu.vector_load_idx %arg13[%add3A_252, %broadcast_in_dim3A_337] : memref<512x32xf32, #tpu.memory_space<vmem>>[vector<16xi32>, vector<16xi32>], vector<16xf32>,
      %mul3A_341 = arith.mulf %gather3A_338, %gather3A_339 : vector<16xf32>
      %add3A_342 = arith.addf %add3A_333, %mul3A_341 : vector<16xf32>
      %mul3A_343 = arith.mulf %gather3A_338, %gather3A_340 : vector<16xf32>
      %add3A_344 = arith.addf %add3A_335, %mul3A_343 : vector<16xf32>
      %broadcast_in_dim3A_345 = arith.constant 10 : i32
      %broadcast_in_dim3A_346 = vector.broadcast %broadcast_in_dim3A_345 : i32 to vector<16xi32>
      %gather3A_347 = tpu.vector_load_idx %arg11[%add3A_252, %broadcast_in_dim3A_346] : memref<512x32xf32, #tpu.memory_space<vmem>>[vector<16xi32>, vector<16xi32>], vector<16xf32>,
      %gather3A_348 = tpu.vector_load_idx %arg12[%add3A_252, %broadcast_in_dim3A_346] : memref<512x32xf32, #tpu.memory_space<vmem>>[vector<16xi32>, vector<16xi32>], vector<16xf32>,
      %gather3A_349 = tpu.vector_load_idx %arg13[%add3A_252, %broadcast_in_dim3A_346] : memref<512x32xf32, #tpu.memory_space<vmem>>[vector<16xi32>, vector<16xi32>], vector<16xf32>,
      %mul3A_350 = arith.mulf %gather3A_347, %gather3A_348 : vector<16xf32>
      %add3A_351 = arith.addf %add3A_342, %mul3A_350 : vector<16xf32>
      %mul3A_352 = arith.mulf %gather3A_347, %gather3A_349 : vector<16xf32>
      %add3A_353 = arith.addf %add3A_344, %mul3A_352 : vector<16xf32>
      %broadcast_in_dim3A_354 = arith.constant 11 : i32
      %broadcast_in_dim3A_355 = vector.broadcast %broadcast_in_dim3A_354 : i32 to vector<16xi32>
      %gather3A_356 = tpu.vector_load_idx %arg11[%add3A_252, %broadcast_in_dim3A_355] : memref<512x32xf32, #tpu.memory_space<vmem>>[vector<16xi32>, vector<16xi32>], vector<16xf32>,
      %gather3A_357 = tpu.vector_load_idx %arg12[%add3A_252, %broadcast_in_dim3A_355] : memref<512x32xf32, #tpu.memory_space<vmem>>[vector<16xi32>, vector<16xi32>], vector<16xf32>,
      %gather3A_358 = tpu.vector_load_idx %arg13[%add3A_252, %broadcast_in_dim3A_355] : memref<512x32xf32, #tpu.memory_space<vmem>>[vector<16xi32>, vector<16xi32>], vector<16xf32>,
      %mul3A_359 = arith.mulf %gather3A_356, %gather3A_357 : vector<16xf32>
      %add3A_360 = arith.addf %add3A_351, %mul3A_359 : vector<16xf32>
      %mul3A_361 = arith.mulf %gather3A_356, %gather3A_358 : vector<16xf32>
      %add3A_362 = arith.addf %add3A_353, %mul3A_361 : vector<16xf32>
      %broadcast_in_dim3A_363 = arith.constant 12 : i32
      %broadcast_in_dim3A_364 = vector.broadcast %broadcast_in_dim3A_363 : i32 to vector<16xi32>
      %gather3A_365 = tpu.vector_load_idx %arg11[%add3A_252, %broadcast_in_dim3A_364] : memref<512x32xf32, #tpu.memory_space<vmem>>[vector<16xi32>, vector<16xi32>], vector<16xf32>,
      %gather3A_366 = tpu.vector_load_idx %arg12[%add3A_252, %broadcast_in_dim3A_364] : memref<512x32xf32, #tpu.memory_space<vmem>>[vector<16xi32>, vector<16xi32>], vector<16xf32>,
      %gather3A_367 = tpu.vector_load_idx %arg13[%add3A_252, %broadcast_in_dim3A_364] : memref<512x32xf32, #tpu.memory_space<vmem>>[vector<16xi32>, vector<16xi32>], vector<16xf32>,
      %mul3A_368 = arith.mulf %gather3A_365, %gather3A_366 : vector<16xf32>
      %add3A_369 = arith.addf %add3A_360, %mul3A_368 : vector<16xf32>
      %mul3A_370 = arith.mulf %gather3A_365, %gather3A_367 : vector<16xf32>
      %add3A_371 = arith.addf %add3A_362, %mul3A_370 : vector<16xf32>
      %broadcast_in_dim3A_372 = arith.constant 13 : i32
      %broadcast_in_dim3A_373 = vector.broadcast %broadcast_in_dim3A_372 : i32 to vector<16xi32>
      %gather3A_374 = tpu.vector_load_idx %arg11[%add3A_252, %broadcast_in_dim3A_373] : memref<512x32xf32, #tpu.memory_space<vmem>>[vector<16xi32>, vector<16xi32>], vector<16xf32>,
      %gather3A_375 = tpu.vector_load_idx %arg12[%add3A_252, %broadcast_in_dim3A_373] : memref<512x32xf32, #tpu.memory_space<vmem>>[vector<16xi32>, vector<16xi32>], vector<16xf32>,
      %gather3A_376 = tpu.vector_load_idx %arg13[%add3A_252, %broadcast_in_dim3A_373] : memref<512x32xf32, #tpu.memory_space<vmem>>[vector<16xi32>, vector<16xi32>], vector<16xf32>,
      %mul3A_377 = arith.mulf %gather3A_374, %gather3A_375 : vector<16xf32>
      %add3A_378 = arith.addf %add3A_369, %mul3A_377 : vector<16xf32>
      %mul3A_379 = arith.mulf %gather3A_374, %gather3A_376 : vector<16xf32>
      %add3A_380 = arith.addf %add3A_371, %mul3A_379 : vector<16xf32>
      %broadcast_in_dim3A_381 = arith.constant 14 : i32
      %broadcast_in_dim3A_382 = vector.broadcast %broadcast_in_dim3A_381 : i32 to vector<16xi32>
      %gather3A_383 = tpu.vector_load_idx %arg11[%add3A_252, %broadcast_in_dim3A_382] : memref<512x32xf32, #tpu.memory_space<vmem>>[vector<16xi32>, vector<16xi32>], vector<16xf32>,
      %gather3A_384 = tpu.vector_load_idx %arg12[%add3A_252, %broadcast_in_dim3A_382] : memref<512x32xf32, #tpu.memory_space<vmem>>[vector<16xi32>, vector<16xi32>], vector<16xf32>,
      %gather3A_385 = tpu.vector_load_idx %arg13[%add3A_252, %broadcast_in_dim3A_382] : memref<512x32xf32, #tpu.memory_space<vmem>>[vector<16xi32>, vector<16xi32>], vector<16xf32>,
      %mul3A_386 = arith.mulf %gather3A_383, %gather3A_384 : vector<16xf32>
      %add3A_387 = arith.addf %add3A_378, %mul3A_386 : vector<16xf32>
      %mul3A_388 = arith.mulf %gather3A_383, %gather3A_385 : vector<16xf32>
      %add3A_389 = arith.addf %add3A_380, %mul3A_388 : vector<16xf32>
      %broadcast_in_dim3A_390 = arith.constant 15 : i32
      %broadcast_in_dim3A_391 = vector.broadcast %broadcast_in_dim3A_390 : i32 to vector<16xi32>
      %gather3A_392 = tpu.vector_load_idx %arg11[%add3A_252, %broadcast_in_dim3A_391] : memref<512x32xf32, #tpu.memory_space<vmem>>[vector<16xi32>, vector<16xi32>], vector<16xf32>,
      %gather3A_393 = tpu.vector_load_idx %arg12[%add3A_252, %broadcast_in_dim3A_391] : memref<512x32xf32, #tpu.memory_space<vmem>>[vector<16xi32>, vector<16xi32>], vector<16xf32>,
      %gather3A_394 = tpu.vector_load_idx %arg13[%add3A_252, %broadcast_in_dim3A_391] : memref<512x32xf32, #tpu.memory_space<vmem>>[vector<16xi32>, vector<16xi32>], vector<16xf32>,
      %mul3A_395 = arith.mulf %gather3A_392, %gather3A_393 : vector<16xf32>
      %add3A_396 = arith.addf %add3A_387, %mul3A_395 : vector<16xf32>
      %mul3A_397 = arith.mulf %gather3A_392, %gather3A_394 : vector<16xf32>
      %add3A_398 = arith.addf %add3A_389, %mul3A_397 : vector<16xf32>
      %broadcast_in_dim3A_399 = arith.constant 16 : i32
      %broadcast_in_dim3A_400 = vector.broadcast %broadcast_in_dim3A_399 : i32 to vector<16xi32>
      %gather3A_401 = tpu.vector_load_idx %arg11[%add3A_252, %broadcast_in_dim3A_400] : memref<512x32xf32, #tpu.memory_space<vmem>>[vector<16xi32>, vector<16xi32>], vector<16xf32>,
      %gather3A_402 = tpu.vector_load_idx %arg12[%add3A_252, %broadcast_in_dim3A_400] : memref<512x32xf32, #tpu.memory_space<vmem>>[vector<16xi32>, vector<16xi32>], vector<16xf32>,
      %gather3A_403 = tpu.vector_load_idx %arg13[%add3A_252, %broadcast_in_dim3A_400] : memref<512x32xf32, #tpu.memory_space<vmem>>[vector<16xi32>, vector<16xi32>], vector<16xf32>,
      %mul3A_404 = arith.mulf %gather3A_401, %gather3A_402 : vector<16xf32>
      %add3A_405 = arith.addf %add3A_396, %mul3A_404 : vector<16xf32>
      %mul3A_406 = arith.mulf %gather3A_401, %gather3A_403 : vector<16xf32>
      %add3A_407 = arith.addf %add3A_398, %mul3A_406 : vector<16xf32>
      %broadcast_in_dim3A_408 = arith.constant 17 : i32
      %broadcast_in_dim3A_409 = vector.broadcast %broadcast_in_dim3A_408 : i32 to vector<16xi32>
      %gather3A_410 = tpu.vector_load_idx %arg11[%add3A_252, %broadcast_in_dim3A_409] : memref<512x32xf32, #tpu.memory_space<vmem>>[vector<16xi32>, vector<16xi32>], vector<16xf32>,
      %gather3A_411 = tpu.vector_load_idx %arg12[%add3A_252, %broadcast_in_dim3A_409] : memref<512x32xf32, #tpu.memory_space<vmem>>[vector<16xi32>, vector<16xi32>], vector<16xf32>,
      %gather3A_412 = tpu.vector_load_idx %arg13[%add3A_252, %broadcast_in_dim3A_409] : memref<512x32xf32, #tpu.memory_space<vmem>>[vector<16xi32>, vector<16xi32>], vector<16xf32>,
      %mul3A_413 = arith.mulf %gather3A_410, %gather3A_411 : vector<16xf32>
      %add3A_414 = arith.addf %add3A_405, %mul3A_413 : vector<16xf32>
      %mul3A_415 = arith.mulf %gather3A_410, %gather3A_412 : vector<16xf32>
      %add3A_416 = arith.addf %add3A_407, %mul3A_415 : vector<16xf32>
      %broadcast_in_dim3A_417 = arith.constant 18 : i32
      %broadcast_in_dim3A_418 = vector.broadcast %broadcast_in_dim3A_417 : i32 to vector<16xi32>
      %gather3A_419 = tpu.vector_load_idx %arg11[%add3A_252, %broadcast_in_dim3A_418] : memref<512x32xf32, #tpu.memory_space<vmem>>[vector<16xi32>, vector<16xi32>], vector<16xf32>,
      %gather3A_420 = tpu.vector_load_idx %arg12[%add3A_252, %broadcast_in_dim3A_418] : memref<512x32xf32, #tpu.memory_space<vmem>>[vector<16xi32>, vector<16xi32>], vector<16xf32>,
      %gather3A_421 = tpu.vector_load_idx %arg13[%add3A_252, %broadcast_in_dim3A_418] : memref<512x32xf32, #tpu.memory_space<vmem>>[vector<16xi32>, vector<16xi32>], vector<16xf32>,
      %mul3A_422 = arith.mulf %gather3A_419, %gather3A_420 : vector<16xf32>
      %add3A_423 = arith.addf %add3A_414, %mul3A_422 : vector<16xf32>
      %mul3A_424 = arith.mulf %gather3A_419, %gather3A_421 : vector<16xf32>
      %add3A_425 = arith.addf %add3A_416, %mul3A_424 : vector<16xf32>
      %broadcast_in_dim3A_426 = arith.constant 19 : i32
      %broadcast_in_dim3A_427 = vector.broadcast %broadcast_in_dim3A_426 : i32 to vector<16xi32>
      %gather3A_428 = tpu.vector_load_idx %arg11[%add3A_252, %broadcast_in_dim3A_427] : memref<512x32xf32, #tpu.memory_space<vmem>>[vector<16xi32>, vector<16xi32>], vector<16xf32>,
      %gather3A_429 = tpu.vector_load_idx %arg12[%add3A_252, %broadcast_in_dim3A_427] : memref<512x32xf32, #tpu.memory_space<vmem>>[vector<16xi32>, vector<16xi32>], vector<16xf32>,
      %gather3A_430 = tpu.vector_load_idx %arg13[%add3A_252, %broadcast_in_dim3A_427] : memref<512x32xf32, #tpu.memory_space<vmem>>[vector<16xi32>, vector<16xi32>], vector<16xf32>,
      %mul3A_431 = arith.mulf %gather3A_428, %gather3A_429 : vector<16xf32>
      %add3A_432 = arith.addf %add3A_423, %mul3A_431 : vector<16xf32>
      %mul3A_433 = arith.mulf %gather3A_428, %gather3A_430 : vector<16xf32>
      %add3A_434 = arith.addf %add3A_425, %mul3A_433 : vector<16xf32>
      %broadcast_in_dim3A_435 = arith.constant 20 : i32
      %broadcast_in_dim3A_436 = vector.broadcast %broadcast_in_dim3A_435 : i32 to vector<16xi32>
      %gather3A_437 = tpu.vector_load_idx %arg11[%add3A_252, %broadcast_in_dim3A_436] : memref<512x32xf32, #tpu.memory_space<vmem>>[vector<16xi32>, vector<16xi32>], vector<16xf32>,
      %gather3A_438 = tpu.vector_load_idx %arg12[%add3A_252, %broadcast_in_dim3A_436] : memref<512x32xf32, #tpu.memory_space<vmem>>[vector<16xi32>, vector<16xi32>], vector<16xf32>,
      %gather3A_439 = tpu.vector_load_idx %arg13[%add3A_252, %broadcast_in_dim3A_436] : memref<512x32xf32, #tpu.memory_space<vmem>>[vector<16xi32>, vector<16xi32>], vector<16xf32>,
      %mul3A_440 = arith.mulf %gather3A_437, %gather3A_438 : vector<16xf32>
      %add3A_441 = arith.addf %add3A_432, %mul3A_440 : vector<16xf32>
      %mul3A_442 = arith.mulf %gather3A_437, %gather3A_439 : vector<16xf32>
      %add3A_443 = arith.addf %add3A_434, %mul3A_442 : vector<16xf32>
      %broadcast_in_dim3A_444 = arith.constant 21 : i32
      %broadcast_in_dim3A_445 = vector.broadcast %broadcast_in_dim3A_444 : i32 to vector<16xi32>
      %gather3A_446 = tpu.vector_load_idx %arg11[%add3A_252, %broadcast_in_dim3A_445] : memref<512x32xf32, #tpu.memory_space<vmem>>[vector<16xi32>, vector<16xi32>], vector<16xf32>,
      %gather3A_447 = tpu.vector_load_idx %arg12[%add3A_252, %broadcast_in_dim3A_445] : memref<512x32xf32, #tpu.memory_space<vmem>>[vector<16xi32>, vector<16xi32>], vector<16xf32>,
      %gather3A_448 = tpu.vector_load_idx %arg13[%add3A_252, %broadcast_in_dim3A_445] : memref<512x32xf32, #tpu.memory_space<vmem>>[vector<16xi32>, vector<16xi32>], vector<16xf32>,
      %mul3A_449 = arith.mulf %gather3A_446, %gather3A_447 : vector<16xf32>
      %add3A_450 = arith.addf %add3A_441, %mul3A_449 : vector<16xf32>
      %mul3A_451 = arith.mulf %gather3A_446, %gather3A_448 : vector<16xf32>
      %add3A_452 = arith.addf %add3A_443, %mul3A_451 : vector<16xf32>
      %broadcast_in_dim3A_453 = arith.constant 22 : i32
      %broadcast_in_dim3A_454 = vector.broadcast %broadcast_in_dim3A_453 : i32 to vector<16xi32>
      %gather3A_455 = tpu.vector_load_idx %arg11[%add3A_252, %broadcast_in_dim3A_454] : memref<512x32xf32, #tpu.memory_space<vmem>>[vector<16xi32>, vector<16xi32>], vector<16xf32>,
      %gather3A_456 = tpu.vector_load_idx %arg12[%add3A_252, %broadcast_in_dim3A_454] : memref<512x32xf32, #tpu.memory_space<vmem>>[vector<16xi32>, vector<16xi32>], vector<16xf32>,
      %gather3A_457 = tpu.vector_load_idx %arg13[%add3A_252, %broadcast_in_dim3A_454] : memref<512x32xf32, #tpu.memory_space<vmem>>[vector<16xi32>, vector<16xi32>], vector<16xf32>,
      %mul3A_458 = arith.mulf %gather3A_455, %gather3A_456 : vector<16xf32>
      %add3A_459 = arith.addf %add3A_450, %mul3A_458 : vector<16xf32>
      %mul3A_460 = arith.mulf %gather3A_455, %gather3A_457 : vector<16xf32>
      %add3A_461 = arith.addf %add3A_452, %mul3A_460 : vector<16xf32>
      %broadcast_in_dim3A_462 = arith.constant 23 : i32
      %broadcast_in_dim3A_463 = vector.broadcast %broadcast_in_dim3A_462 : i32 to vector<16xi32>
      %gather3A_464 = tpu.vector_load_idx %arg11[%add3A_252, %broadcast_in_dim3A_463] : memref<512x32xf32, #tpu.memory_space<vmem>>[vector<16xi32>, vector<16xi32>], vector<16xf32>,
      %gather3A_465 = tpu.vector_load_idx %arg12[%add3A_252, %broadcast_in_dim3A_463] : memref<512x32xf32, #tpu.memory_space<vmem>>[vector<16xi32>, vector<16xi32>], vector<16xf32>,
      %gather3A_466 = tpu.vector_load_idx %arg13[%add3A_252, %broadcast_in_dim3A_463] : memref<512x32xf32, #tpu.memory_space<vmem>>[vector<16xi32>, vector<16xi32>], vector<16xf32>,
      %mul3A_467 = arith.mulf %gather3A_464, %gather3A_465 : vector<16xf32>
      %add3A_468 = arith.addf %add3A_459, %mul3A_467 : vector<16xf32>
      %mul3A_469 = arith.mulf %gather3A_464, %gather3A_466 : vector<16xf32>
      %add3A_470 = arith.addf %add3A_461, %mul3A_469 : vector<16xf32>
      %broadcast_in_dim3A_471 = arith.constant 24 : i32
      %broadcast_in_dim3A_472 = vector.broadcast %broadcast_in_dim3A_471 : i32 to vector<16xi32>
      %gather3A_473 = tpu.vector_load_idx %arg11[%add3A_252, %broadcast_in_dim3A_472] : memref<512x32xf32, #tpu.memory_space<vmem>>[vector<16xi32>, vector<16xi32>], vector<16xf32>,
      %gather3A_474 = tpu.vector_load_idx %arg12[%add3A_252, %broadcast_in_dim3A_472] : memref<512x32xf32, #tpu.memory_space<vmem>>[vector<16xi32>, vector<16xi32>], vector<16xf32>,
      %gather3A_475 = tpu.vector_load_idx %arg13[%add3A_252, %broadcast_in_dim3A_472] : memref<512x32xf32, #tpu.memory_space<vmem>>[vector<16xi32>, vector<16xi32>], vector<16xf32>,
      %mul3A_476 = arith.mulf %gather3A_473, %gather3A_474 : vector<16xf32>
      %add3A_477 = arith.addf %add3A_468, %mul3A_476 : vector<16xf32>
      %mul3A_478 = arith.mulf %gather3A_473, %gather3A_475 : vector<16xf32>
      %add3A_479 = arith.addf %add3A_470, %mul3A_478 : vector<16xf32>
      %broadcast_in_dim3A_480 = arith.constant 25 : i32
      %broadcast_in_dim3A_481 = vector.broadcast %broadcast_in_dim3A_480 : i32 to vector<16xi32>
      %gather3A_482 = tpu.vector_load_idx %arg11[%add3A_252, %broadcast_in_dim3A_481] : memref<512x32xf32, #tpu.memory_space<vmem>>[vector<16xi32>, vector<16xi32>], vector<16xf32>,
      %gather3A_483 = tpu.vector_load_idx %arg12[%add3A_252, %broadcast_in_dim3A_481] : memref<512x32xf32, #tpu.memory_space<vmem>>[vector<16xi32>, vector<16xi32>], vector<16xf32>,
      %gather3A_484 = tpu.vector_load_idx %arg13[%add3A_252, %broadcast_in_dim3A_481] : memref<512x32xf32, #tpu.memory_space<vmem>>[vector<16xi32>, vector<16xi32>], vector<16xf32>,
      %mul3A_485 = arith.mulf %gather3A_482, %gather3A_483 : vector<16xf32>
      %add3A_486 = arith.addf %add3A_477, %mul3A_485 : vector<16xf32>
      %mul3A_487 = arith.mulf %gather3A_482, %gather3A_484 : vector<16xf32>
      %add3A_488 = arith.addf %add3A_479, %mul3A_487 : vector<16xf32>
      %broadcast_in_dim3A_489 = arith.constant 26 : i32
      %broadcast_in_dim3A_490 = vector.broadcast %broadcast_in_dim3A_489 : i32 to vector<16xi32>
      %gather3A_491 = tpu.vector_load_idx %arg11[%add3A_252, %broadcast_in_dim3A_490] : memref<512x32xf32, #tpu.memory_space<vmem>>[vector<16xi32>, vector<16xi32>], vector<16xf32>,
      %gather3A_492 = tpu.vector_load_idx %arg12[%add3A_252, %broadcast_in_dim3A_490] : memref<512x32xf32, #tpu.memory_space<vmem>>[vector<16xi32>, vector<16xi32>], vector<16xf32>,
      %gather3A_493 = tpu.vector_load_idx %arg13[%add3A_252, %broadcast_in_dim3A_490] : memref<512x32xf32, #tpu.memory_space<vmem>>[vector<16xi32>, vector<16xi32>], vector<16xf32>,
      %mul3A_494 = arith.mulf %gather3A_491, %gather3A_492 : vector<16xf32>
      %add3A_495 = arith.addf %add3A_486, %mul3A_494 : vector<16xf32>
      %mul3A_496 = arith.mulf %gather3A_491, %gather3A_493 : vector<16xf32>
      %add3A_497 = arith.addf %add3A_488, %mul3A_496 : vector<16xf32>
      %broadcast_in_dim3A_498 = arith.constant 27 : i32
      %broadcast_in_dim3A_499 = vector.broadcast %broadcast_in_dim3A_498 : i32 to vector<16xi32>
      %gather3A_500 = tpu.vector_load_idx %arg11[%add3A_252, %broadcast_in_dim3A_499] : memref<512x32xf32, #tpu.memory_space<vmem>>[vector<16xi32>, vector<16xi32>], vector<16xf32>,
      %gather3A_501 = tpu.vector_load_idx %arg12[%add3A_252, %broadcast_in_dim3A_499] : memref<512x32xf32, #tpu.memory_space<vmem>>[vector<16xi32>, vector<16xi32>], vector<16xf32>,
      %gather3A_502 = tpu.vector_load_idx %arg13[%add3A_252, %broadcast_in_dim3A_499] : memref<512x32xf32, #tpu.memory_space<vmem>>[vector<16xi32>, vector<16xi32>], vector<16xf32>,
      %mul3A_503 = arith.mulf %gather3A_500, %gather3A_501 : vector<16xf32>
      %add3A_504 = arith.addf %add3A_495, %mul3A_503 : vector<16xf32>
      %mul3A_505 = arith.mulf %gather3A_500, %gather3A_502 : vector<16xf32>
      %add3A_506 = arith.addf %add3A_497, %mul3A_505 : vector<16xf32>
      %broadcast_in_dim3A_507 = arith.constant 28 : i32
      %broadcast_in_dim3A_508 = vector.broadcast %broadcast_in_dim3A_507 : i32 to vector<16xi32>
      %gather3A_509 = tpu.vector_load_idx %arg11[%add3A_252, %broadcast_in_dim3A_508] : memref<512x32xf32, #tpu.memory_space<vmem>>[vector<16xi32>, vector<16xi32>], vector<16xf32>,
      %gather3A_510 = tpu.vector_load_idx %arg12[%add3A_252, %broadcast_in_dim3A_508] : memref<512x32xf32, #tpu.memory_space<vmem>>[vector<16xi32>, vector<16xi32>], vector<16xf32>,
      %gather3A_511 = tpu.vector_load_idx %arg13[%add3A_252, %broadcast_in_dim3A_508] : memref<512x32xf32, #tpu.memory_space<vmem>>[vector<16xi32>, vector<16xi32>], vector<16xf32>,
      %mul3A_512 = arith.mulf %gather3A_509, %gather3A_510 : vector<16xf32>
      %add3A_513 = arith.addf %add3A_504, %mul3A_512 : vector<16xf32>
      %mul3A_514 = arith.mulf %gather3A_509, %gather3A_511 : vector<16xf32>
      %add3A_515 = arith.addf %add3A_506, %mul3A_514 : vector<16xf32>
      %broadcast_in_dim3A_516 = arith.constant 29 : i32
      %broadcast_in_dim3A_517 = vector.broadcast %broadcast_in_dim3A_516 : i32 to vector<16xi32>
      %gather3A_518 = tpu.vector_load_idx %arg11[%add3A_252, %broadcast_in_dim3A_517] : memref<512x32xf32, #tpu.memory_space<vmem>>[vector<16xi32>, vector<16xi32>], vector<16xf32>,
      %gather3A_519 = tpu.vector_load_idx %arg12[%add3A_252, %broadcast_in_dim3A_517] : memref<512x32xf32, #tpu.memory_space<vmem>>[vector<16xi32>, vector<16xi32>], vector<16xf32>,
      %gather3A_520 = tpu.vector_load_idx %arg13[%add3A_252, %broadcast_in_dim3A_517] : memref<512x32xf32, #tpu.memory_space<vmem>>[vector<16xi32>, vector<16xi32>], vector<16xf32>,
      %mul3A_521 = arith.mulf %gather3A_518, %gather3A_519 : vector<16xf32>
      %add3A_522 = arith.addf %add3A_513, %mul3A_521 : vector<16xf32>
      %mul3A_523 = arith.mulf %gather3A_518, %gather3A_520 : vector<16xf32>
      %add3A_524 = arith.addf %add3A_515, %mul3A_523 : vector<16xf32>
      %broadcast_in_dim3A_525 = arith.constant 30 : i32
      %broadcast_in_dim3A_526 = vector.broadcast %broadcast_in_dim3A_525 : i32 to vector<16xi32>
      %gather3A_527 = tpu.vector_load_idx %arg11[%add3A_252, %broadcast_in_dim3A_526] : memref<512x32xf32, #tpu.memory_space<vmem>>[vector<16xi32>, vector<16xi32>], vector<16xf32>,
      %gather3A_528 = tpu.vector_load_idx %arg12[%add3A_252, %broadcast_in_dim3A_526] : memref<512x32xf32, #tpu.memory_space<vmem>>[vector<16xi32>, vector<16xi32>], vector<16xf32>,
      %gather3A_529 = tpu.vector_load_idx %arg13[%add3A_252, %broadcast_in_dim3A_526] : memref<512x32xf32, #tpu.memory_space<vmem>>[vector<16xi32>, vector<16xi32>], vector<16xf32>,
      %mul3A_530 = arith.mulf %gather3A_527, %gather3A_528 : vector<16xf32>
      %add3A_531 = arith.addf %add3A_522, %mul3A_530 : vector<16xf32>
      %mul3A_532 = arith.mulf %gather3A_527, %gather3A_529 : vector<16xf32>
      %add3A_533 = arith.addf %add3A_524, %mul3A_532 : vector<16xf32>
      %broadcast_in_dim3A_534 = arith.constant 31 : i32
      %broadcast_in_dim3A_535 = vector.broadcast %broadcast_in_dim3A_534 : i32 to vector<16xi32>
      %gather3A_536 = tpu.vector_load_idx %arg11[%add3A_252, %broadcast_in_dim3A_535] : memref<512x32xf32, #tpu.memory_space<vmem>>[vector<16xi32>, vector<16xi32>], vector<16xf32>,
      %gather3A_537 = tpu.vector_load_idx %arg12[%add3A_252, %broadcast_in_dim3A_535] : memref<512x32xf32, #tpu.memory_space<vmem>>[vector<16xi32>, vector<16xi32>], vector<16xf32>,
      %gather3A_538 = tpu.vector_load_idx %arg13[%add3A_252, %broadcast_in_dim3A_535] : memref<512x32xf32, #tpu.memory_space<vmem>>[vector<16xi32>, vector<16xi32>], vector<16xf32>,
      %mul3A_539 = arith.mulf %gather3A_536, %gather3A_537 : vector<16xf32>
      %add3A_540 = arith.addf %add3A_531, %mul3A_539 : vector<16xf32>
      %mul3A_541 = arith.mulf %gather3A_536, %gather3A_538 : vector<16xf32>
      %add3A_542 = arith.addf %add3A_533, %mul3A_541 : vector<16xf32>
      %sub3A = arith.subf %add3A_542, %add3A_540 : vector<16xf32>
      %mul3A_543 = arith.constant 16 : i32
      %mul3A_544 = arith.muli %scan3A_248, %mul3A_543 : i32
      %swap3A = arith.index_cast %mul3A_544 : i32 to index
      %swap3A_545 = tpu.vector_load %arg14[%swap3A] {strides = array<i32>} : memref<512xf32, #tpu.memory_space<vmem>>, vector<16xf32>,
      tpu.vector_store %arg14[%swap3A], %sub3A {strides = array<i32>} : memref<512xf32, #tpu.memory_space<vmem>>, vector<16xf32>,
    }
    %scan3A_245 = arith.constant 32 : i32
    %mul3A_246 = arith.constant 512 : i32
    %mul3A_247 = arith.muli %add3A, %mul3A_246 : i32
    "tpu.region"() ({
      %run_scoped3A = tpu.sem_alloc : memref<!tpu.dma_semaphore, #tpu.memory_space<semaphore_mem>>
      %dma_start3A_248 = tpu.memref_slice %arg7[%mul3A_247] : memref<16384xf32, #tpu.memory_space<hbm>> -> memref<512xf32, #tpu.memory_space<hbm>>
      %dma_start3A_249 = tpu.memref_slice %arg7[%mul3A_247] : memref<16384xf32, #tpu.memory_space<hbm>> -> memref<512xf32, #tpu.memory_space<hbm>>
      tpu.enqueue_dma source(%arg14 : memref<512xf32, #tpu.memory_space<vmem>>) target(%dma_start3A_249 : memref<512xf32, #tpu.memory_space<hbm>>) target_semaphore(%run_scoped3A : memref<!tpu.dma_semaphore, #tpu.memory_space<semaphore_mem>>)
      %dma_wait3A_250 = tpu.memref_slice %arg7[%mul3A_247] : memref<16384xf32, #tpu.memory_space<hbm>> -> memref<512xf32, #tpu.memory_space<hbm>>
      %dma_wait3A_251 = tpu.memref_slice %arg7[%mul3A_247] : memref<16384xf32, #tpu.memory_space<hbm>> -> memref<512xf32, #tpu.memory_space<hbm>>
      tpu.wait_dma2 semaphore(%run_scoped3A : memref<!tpu.dma_semaphore, #tpu.memory_space<semaphore_mem>>) src(%arg14 : memref<512xf32, #tpu.memory_space<vmem>>) dst(%dma_wait3A_251 : memref<512xf32, #tpu.memory_space<hbm>>)
      tpu.yield
    }) : () -> ()
    return
  }
}

</mosaic_0001>

<sc_bundles>
// kernel: _sc_diffs.3.cloned.1.call-start
scs
__scs_entry_jumppad:
0x0: {  	(pc) =	sbr.rel $0x88, $3  }
0x1: {  	(tag) =	ssettag $0x0;
	lr =	simm.s32 $0x1  }
0x2: {  	[smem:$0x3F9C] =	sst lr;
	_ =	strace $0xD0000000  }
0x3: {  	_ = 	snop  }
0x4: {  	_ = 	snop  }
0x5: {  	_ = 	snop  }
0x6: {  	_ = 	snop  }
0x7: {  	_ = 	snop  }
__scs_overlays_trampoline_lowered:
0x8: {  	[smem:$0x3FAB] =	sst s0  }
0x9: {  	[smem:$0x3FAC] =	sst s1  }
0xa: {  	[smem:$0x3FAD] =	sst s2  }
0xb: {  	[smem:$0x3FAE] =	sst s3  }
0xc: {  	[smem:$0x3FAF] =	sst s4  }
0xd: {  	[smem:$0x3FB0] =	sst s5  }
0xe: {  	[smem:$0x3FB1] =	sst s6  }
0xf: {  	[smem:$0x3FB2] =	sst s7  }
0x10: {  	[smem:$0x3FB3] =	sst s8  }
0x11: {  	[smem:$0x3FB4] =	sst s9;
	s0 =	simm.s32 @!p0 $0x0  }
0x12: {  	s1 =	sld [smem:$0x3F9A];
	s0 =	simm.s32 @p0 $0x1  }
0x13: {  	[smem:$0x3FB5] =	sst s0;
	s0 =	simm.s32 @!p1 $0x0  }
0x14: {  	s2 =	sld [smem:$0x3F99];
	s0 =	simm.s32 @p1 $0x1  }
0x15: {  	[smem:$0x3FB6] =	sst s0;
	s0 =	simm.s32 @!p2 $0x0  }
0x16: {  	s3 =	sld [smem:$0x3FDB];
	s0 =	simm.s32 @p2 $0x1  }
0x17: {  	s4 =	simm.s32 $0x1BF5;
	[smem:$0x3FB8] =	sst s0  }
0x18: {  	s0 =	sld [smem:$0x3F9B];
	_ =	swait.ge [sflag:s4], $0x0  }
0x19: {  	s7 =	sld [smem:$0x3F9C]  }
0x1a: {  	s8 =	sadd.s32 $0xFFFFE003, lr  }
0x1b: {  	s9 =	sadd.s32 $0xFFFFFEF7, lr;
	s5 =	simm.s32 $0xFFFFFFFF;
	p2 =	slt.u32 s8, $0xFFFFF086  }
0x1c: {  	p1 =	slt.u32 s9, $0xF7A;
	s5 =	simm.s32 @!p2 $0x0  }
0x1d: {  	s5 =	simm.s32 @p1 $0x1;
	p0 =	seq.s32 s7, s2  }
0x1e: {  	s7 =	smul.u32 @!p0 $0xF7A, s2;
	p2 =	seq.s32 @!p0 s5, $0x0  }
0x1f: {  	s9 =	smul.u32 $0xF7A, s1;
	s8 =	simm.s32 @!p0 $0x1BF5;
	p2 =	por !p2, p0  }
0x20: {  	[sflag:s8] =	ssyncset.s32 @!p0 $0xFFFFF086;
	s6 =	sadd.s32 @!p0 s3, s7;
	s7 =	simm.s32 @!p0 $0x108  }
0x21: {  	s3 =	sadd.s32 s3, s9;
	s6 =	sadd.s32 @!p0 $0x88, s6;
	s7 =	simm.s32 @p2 $0x1082  }
0x22: {  	[simem:s7], [sflag:s8] =	dma.local @!p0 [hbm:s6], $0xF7A  }
0x23: {  	s9 =	sor.u32 $0xD0000000, s2;
	s6 =	simm.s32 $0x108;
	_ =	swait.ge @!p0 [sflag:s8], $0x0  }
0x24: {  	s3 =	sadd.s32 $0x88, s3;
	s6 =	simm.s32 @!p1 $0x1082;
	[sflag:s4] =	ssyncset.s32 $0xFFFFF086  }
0x25: {  	[simem:s6], [sflag:s4] =	dma.local [hbm:s3], $0xF7A  }
0x26: {  	[smem:$0x3F9C] =	sst s1;
	(tag) =	ssettag s2;
	_ =	strace s9  }
0x27: {  	s1 =	sld [smem:$0x3FAC]  }
0x28: {  	s2 =	sld [smem:$0x3FAD]  }
0x29: {  	s4 =	sld [smem:$0x3FAF]  }
0x2a: {  	p0 =	seq.s32 s5, $0x0;
	s5 =	sld [smem:$0x3FB0]  }
0x2b: {  	s6 =	sld [smem:$0x3FB1]  }
0x2c: {  	s7 =	sld [smem:$0x3FB2]  }
0x2d: {  	s3 =	simm.s32 $0x108;
	s8 =	sld [smem:$0x3FB3]  }
0x2e: {  	s3 =	simm.s32 @!p0 $0x1082;
	s9 =	sld [smem:$0x3FB4]  }
0x2f: {  	lr =	sadd.s32 s0, s3;
	s0 =	sld [smem:$0x3FAB]  }
0x30: {  	s3 =	sld [smem:$0x3FAE]  }
0x31: {  	[smem:$0x3FB7] =	sst s10  }
0x32: {  	s10 =	sld [smem:$0x3FB5];
	_ =	sdelay $0x3  }
0x33: {  	p0 =	seq.s32 s10, $0x1;
	s10 =	sld [smem:$0x3FB7];
	_ =	sdelay $0x3  }
0x34: {  	[smem:$0x3FB7] =	sst s10  }
0x35: {  	s10 =	sld [smem:$0x3FB6];
	_ =	sdelay $0x3  }
0x36: {  	p1 =	seq.s32 s10, $0x1;
	s10 =	sld [smem:$0x3FB7];
	_ =	sdelay $0x3  }
0x37: {  	[smem:$0x3FB7] =	sst s10  }
0x38: {  	s10 =	sld [smem:$0x3FB8]  }
0x39: {  	_ = 	snop;
	(pc) =	sbr.ind lr, $3  }
0x3a: {  	_ = 	snop  }
0x3b: {  	_ = 	snop  }
0x3c: {  	p2 =	seq.s32 s10, $0x1;
	s10 =	sld [smem:$0x3FB7]  }
0x3d: {  	_ =	shalt  }
0x3e: {  	_ =	shalt  }
0x3f: {  	_ =	shalt  }
0x40: {  	_ =	shalt  }
0x41: {  	_ =	shalt  }
0x42: {  	_ =	shalt  }
0x43: {  	_ =	shalt  }
0x44: {  	_ =	shalt  }
0x45: {  	_ =	shalt  }
0x46: {  	_ =	shalt  }
0x47: {  	_ =	shalt  }
0x48: {  	_ =	shalt  }
0x49: {  	_ =	shalt  }
0x4a: {  	_ =	shalt  }
0x4b: {  	_ =	shalt  }
0x4c: {  	_ =	shalt  }
0x4d: {  	_ =	shalt  }
0x4e: {  	_ =	shalt  }
0x4f: {  	_ =	shalt  }
0x50: {  	_ =	shalt  }
0x51: {  	_ =	shalt  }
0x52: {  	_ =	shalt  }
0x53: {  	_ =	shalt  }
0x54: {  	_ =	shalt  }
0x55: {  	_ =	shalt  }
0x56: {  	_ =	shalt  }
0x57: {  	_ =	shalt  }
0x58: {  	_ =	shalt  }
0x59: {  	_ =	shalt  }
0x5a: {  	_ =	shalt  }
0x5b: {  	_ =	shalt  }
0x5c: {  	_ =	shalt  }
0x5d: {  	_ =	shalt  }
0x5e: {  	_ =	shalt  }
0x5f: {  	_ =	shalt  }
0x60: {  	_ =	shalt  }
0x61: {  	_ =	shalt  }
0x62: {  	_ =	shalt  }
0x63: {  	_ =	shalt  }
0x64: {  	_ =	shalt  }
0x65: {  	_ =	shalt  }
0x66: {  	_ =	shalt  }
0x67: {  	_ =	shalt  }
0x68: {  	_ =	shalt  }
0x69: {  	_ =	shalt  }
0x6a: {  	_ =	shalt  }
0x6b: {  	_ =	shalt  }
0x6c: {  	_ =	shalt  }
0x6d: {  	_ =	shalt  }
0x6e: {  	_ =	shalt  }
0x6f: {  	_ =	shalt  }
0x70: {  	_ =	shalt  }
0x71: {  	_ =	shalt  }
0x72: {  	_ =	shalt  }
0x73: {  	_ =	shalt  }
0x74: {  	_ =	shalt  }
0x75: {  	_ =	shalt  }
0x76: {  	_ =	shalt  }
0x77: {  	_ =	shalt  }
0x78: {  	_ =	shalt  }
0x79: {  	_ =	shalt  }
0x7a: {  	_ =	shalt  }
0x7b: {  	_ =	shalt  }
0x7c: {  	_ =	shalt  }
0x7d: {  	_ =	shalt  }
0x7e: {  	_ =	shalt  }
0x7f: {  	_ =	shalt  }
0x80: {  	_ =	shalt  }
0x81: {  	_ =	shalt  }
0x82: {  	_ =	shalt  }
0x83: {  	_ =	shalt  }
0x84: {  	_ =	shalt  }
0x85: {  	_ =	shalt  }
0x86: {  	_ =	shalt  }
0x87: {  	_ =	shalt  }
.Lfunc_end0:
.L_simem_size_0:
called_computation_lowered:
.L_overlay_start_0:
0x88: {  	s2 =	sld [smem:$0x3FD9]  }
0x89: {  	s3 =	sld [smem:$0x3FFE];
	_ =	sdelay $0x1  }
0x8a: {  	s1 =	srdreg.scid  }
0x8b: {  	s0 =	sand.u32 $0x1, s1  }
0x8c: {  	s17 =	sshll.u32 s0, $0xA;
	s2 =	sadd.s32 s3, s2  }
0x8d: {  	s2 =	sadd.s32 s2, s17  }
0x8e: {  	[smem:$0x3FC3] =	sst s2  }
0x8f: {  	_ = 	snop  }
0x90: {  	s2 =	sld [smem:$0x3FC9]  }
0x91: {  	s18 =	sld [smem:$0x3FC8]  }
0x92: {  	s4 =	sld [smem:$0x3FC7]  }
0x93: {  	s5 =	sld [smem:$0x3FD0];
	(tm) =	ssettm $0x1  }
0x94: {  	s6 =	sld [smem:$0x3FFB];
	_ =	sdelay $0x3  }
0x95: {  	_ =	strace s6  }
0x96: {  	s6 =	sld [smem:$0x3FFC];
	_ =	sdelay $0x3  }
0x97: {  	_ =	strace s6  }
0x98: {  	s6 =	sld [smem:$0x3FFD];
	_ =	sdelay $0x3  }
0x99: {  	_ =	strace s6  }
0x9a: {  	_ =	strace $0x8FFFFFFF  }
0x9b: {  	s19 =	sld [smem:$0x3FDB];
	_ =	sdelay $0x1  }
0x9c: {  	s7 =	simm.s32 $_scs_section_size  }
0x9d: {  	s8 =	simm.s32 $_size__tile_overlayer_lowered;
	s9 =	simm.s32 $_tile_overlayer_lowered  }
0x9e: {  	s22 =	simm.s32 $0x1BFF;
	s21 =	sshll.u32 s9, $0x1;
	s6 =	sadd.s32 s7, s19  }
0x9f: {  	s10 =	simm.s32 $0x0;
	s20 =	sshll.u32 s8, $0x1;
	s8 =	sadd.s32 s21, s6  }
0xa0: {  	[timem:s10], [sflag:s22] =	dma.local [hbm:s8], s20  }
0xa1: {  	_ =	swait.ge [sflag:s22], s20  }
0xa2: {  	s7 =	ssub.s32 $0x0, s20;
	[sflag:s22] =	ssyncset.done $0x0  }
0xa3: {  	[sflag:s22] =	ssyncadd.s32 s7;
	_ =	sdelay $0x1  }
0xa4: {  	s23 =	simm.s32 $0x1B8B  }
0xa5: {  	_ =	swait.ge [sflag:s23], $0x1  }
0xa6: {  	[sflag:s23] =	ssyncset.done $0x0  }
0xa7: {  	s25 =	simm.s32 $0x1B8E;
	s24 =	sld [smem:$0x3FFE];
	[sflag:s23] =	ssyncadd.s32 $0xFFFFFFFF  }
0xa8: {  	s26 =	simm.s32 $execute0_lowered;
	[smem:$0x3FD2] =	sst s25  }
0xa9: {  	s8 =	sshll.u32 s26, $0x1;
	_ =	strace $0x80000046;
	[dreg:$0x1] =	wrdreg $0xFFFFFFFF  }
0xaa: {  	s28 =	simm.s32 $_size_execute0_lowered;
	s6 =	sadd.s32 s6, s8;
	[dreg:$0x0] =	wrdreg $0x0  }
0xab: {  	s8 =	sshll.u32 s28, $0x1;
	[dreg:$0x2] =	wrdreg s6  }
0xac: {  	[dreg:$0x3] =	wrdreg s8  }
0xad: {  	[dreg:$0x4] =	wrdreg $0xC0  }
0xae: {  	_ =	task [dreg:s10], $0x5FFFF  }
0xaf: {  	[dreg:$0x1] =	wrdreg $0xFFFFFFFF  }
0xb0: {  	[dreg:$0x0] =	wrdreg $0x60  }
0xb1: {  	[dreg:$0x2] =	wrdreg s2  }
0xb2: {  	[dreg:$0x3] =	wrdreg s18  }
0xb3: {  	[dreg:$0x4] =	wrdreg s4  }
0xb4: {  	[dreg:$0x5] =	wrdreg s24  }
0xb5: {  	[dreg:$0x6] =	wrdreg s5  }
0xb6: {  	[dreg:$0x7] =	wrdreg $0x9  }
0xb7: {  	_ =	task.clear_ibuf [dreg:s10], $0x8FFFF;
	_ =	strace $0x90000046  }
0xb8: {  	s29 =	simm.s32 $0x9;
	_ =	strace $0x80000048  }
0xb9: {  	_ =	swait.ge [sflag:s29], $0x1  }
0xba: {  	[sflag:s29] =	ssyncadd.s32 $0xFFFFFFFF  }
0xbb: {  	_ =	strace $0x90000048  }
0xbc: {  	_ =	sfence  }
0xbd: {  	s30 =	sld [smem:$0x0];
	_ =	sdelay $0x2  }
0xbe: {  	s31 =	sshll.u32 s1, $0xD;
	s1 =	sshrl.u32 s1, $0x2  }
0xbf: {  	s3 =	sand.u32 $0x4000, s31;
	s1 =	sadd.s32 s1, s30  }
0xc0: {  	s0 =	sor.u32 s3, s0;
	s1 =	sshll.u32 s1, $0x11  }
0xc1: {  	s0 =	sor.u32 s1, s0  }
0xc2: {  	s0 =	sadd.s32 $0x8F2B, s0  }
0xc3: {  	[sflag:s0] =	ssyncadd.remote.s32 $0x1  }
0xc4: {  	_ =	sfence.sel $0xFFFF  }
0xc5: {  	[dreg:$0x0] =	wrdreg $0xFFFFFFFF;
	(pc) =	sbr.abs _section_cstart, $3  }
0xc6: {  	[dreg:$0x1] =	wrdreg $0xFFFFFFFF  }
0xc7: {  	_ =	task.clear_ibuf [dreg:s10], $0x2FFFF;
	_ =	strace $0x9FFFFFFF  }
0xc8: {  	(tm) =	ssettm $0x7FFFFFFF  }
0xc9: {  	_ =	shalt  }
tec
execute0_lowered:
.L_overlay_start_1:
0x0: {  	(tag) =	ssettag $0x1  }
0x1: {  	s0 =	rddreg [dreg:$0x0]  }
0x2: {  	s2 =	rddreg [dreg:$0x1]  }
0x3: {  	s7 =	rddreg [dreg:$0x2]  }
0x4: {  	s4 =	rddreg [dreg:$0x3]  }
0x5: {  	s8 =	rddreg [dreg:$0x4];
	s1 =	simm.s32 $0x0  }
0x6: {  	s5 =	srdreg.scid;
	s9 =	stileid.u32;
	s11 =	simm.s32 $0x200  }
0x7: {  	s12 =	simm.s32 $0x400;
	s13 =	simm.s32 $0x80;
	s14 =	simm.s32 $0x600  }
0x8: {  	s15 =	simm.s32 $0x4600;
	s16 =	simm.s32 $0x8600;
	s23 =	simm.s32 $0x2600  }
0x9: {  	s24 =	simm.s32 $0x300;
	s25 =	simm.s32 $0x6600;
	s26 =	simm.s32 $0x500  }
0xa: {  	s28 =	simm.s32 $0xA600;
	s29 =	simm.s32 $0x180;
	s30 =	simm.s32 $0x3600  }
0xb: {  	s31 =	simm.s32 $0x380;
	s17 =	simm.s32 $0xB600;
	s18 =	simm.s32 $0x1  }
0xc: {  	s19 =	simm.s32 $0xC600;
	s20 =	simm.s32 $0x0;
	[smem:$0x7FF] =	sst s1  }
0xd: {  	s3 =	sadd.s32 $0xF42800, s4;
	s5 =	sand.u32 $0x1, s5;
	s9 =	sshll.u32 s9, $0x7  }
0xe: {  	s4 =	sadd.s32 $0x1313200, s4;
	s6 =	ssub.s32 $0x2, s5;
	s5 =	sshll.u32 s5, $0x6  }
0xf: {  	v0 =	vlaneseq.u32;
	_ =	strace $0x80000047;
	s10 =	sshrl.u32 s6, $0x1;
	s9 =	sor.u32 s5, s9  }
0x10: {  	v0 =	vmul.u32 $0x20, v0;
	s10 =	ssub.s32 s6, s10;
	s5 =	sadd.s32 s0, s9;
	s6 =	sadd.s32 s2, s9  }
0x11: {  	s7 =	sadd.s32 s7, s9;
	s8 =	sadd.s32 s8, s9;
	s0 =	simm.s32 $0x7600  }
0x12: {  	[tilespmem:$0x1FFF0] =	vst v0;
	s2 =	simm.s32 $0x580;
	s9 =	smax.u32 s10, $0x1;
	s10 =	simm.s32 $0x2  }
.LBB2_1:
0x13: {  	[tilespmem:s1], [sflag:$0x2] =	stream.linear.gather [hbm4b:s5+s1], $0x200, $0x38;
	[tilespmem:$0xC800] =	vst v63  }
0x14: {  	_ =	swait.ge [sflag:s10], $0x200  }
0x15: {  	[sflag:s10] =	ssyncset.done $0x0  }
0x16: {  	[sflag:s10] =	ssyncadd.s32 $0xFFFFFE00  }
0x17: {  	[tilespmem:s11], [sflag:$0x2] =	stream.linear.gather [hbm4b:s6+s1], $0x200, $0x38;
	[tilespmem:$0xC800] =	vst v63  }
0x18: {  	_ =	swait.ge [sflag:s10], $0x200  }
0x19: {  	[sflag:s10] =	ssyncset.done $0x0  }
0x1a: {  	[sflag:s10] =	ssyncadd.s32 $0xFFFFFE00  }
0x1b: {  	[tilespmem:s12], [sflag:$0x2] =	stream.linear.gather [hbm4b:s7+s1], $0x200, $0x38;
	[tilespmem:$0xC800] =	vst v63  }
0x1c: {  	_ =	swait.ge [sflag:s10], $0x200  }
0x1d: {  	[sflag:s10] =	ssyncset.done $0x0  }
0x1e: {  	[sflag:s10] =	ssyncadd.s32 $0xFFFFFE00  }
0x1f: {  	[tilespmem:s14], [sflag:$0x1] =	stream.indirect.gather [hbm4b:s3+s13], $0x20, s1, s13, $0xb8;
	[tilespmem:$0xC800] =	vst v63  }
0x20: {  	_ = 	snop  }
0x21: {  	[tilespmem:s15], [sflag:$0x1] =	stream.indirect.gather [hbm4b:s4+s13], $0x20, s11, s13, $0xb8;
	[tilespmem:$0xC800] =	vst v63  }
0x22: {  	_ = 	snop  }
0x23: {  	[tilespmem:s16], [sflag:$0x1] =	stream.indirect.gather [hbm4b:s4+s13], $0x20, s12, s13, $0xb8;
	[tilespmem:$0xC800] =	vst v63  }
0x24: {  	s21 =	simm.s32 $0x1600  }
0x25: {  	[tilespmem:s21], [sflag:$0x1] =	stream.indirect.gather [hbm4b:s3+s13], $0x20, s13, s13, $0xb8;
	[tilespmem:$0xC800] =	vst v63  }
0x26: {  	s22 =	simm.s32 $0x5600;
	s21 =	simm.s32 $0x280  }
0x27: {  	[tilespmem:s22], [sflag:$0x1] =	stream.indirect.gather [hbm4b:s4+s13], $0x20, s21, s13, $0xb8;
	[tilespmem:$0xC800] =	vst v63  }
0x28: {  	s21 =	simm.s32 $0x480;
	s22 =	simm.s32 $0x9600  }
0x29: {  	[tilespmem:s22], [sflag:$0x1] =	stream.indirect.gather [hbm4b:s4+s13], $0x20, s21, s13, $0xb8;
	[tilespmem:$0xC800] =	vst v63  }
0x2a: {  	s22 =	simm.s32 $0x100  }
0x2b: {  	[tilespmem:s23], [sflag:$0x1] =	stream.indirect.gather [hbm4b:s3+s13], $0x20, s22, s13, $0xb8;
	[tilespmem:$0xC800] =	vst v63  }
0x2c: {  	_ = 	snop  }
0x2d: {  	[tilespmem:s25], [sflag:$0x1] =	stream.indirect.gather [hbm4b:s4+s13], $0x20, s24, s13, $0xb8;
	[tilespmem:$0xC800] =	vst v63  }
0x2e: {  	_ = 	snop  }
0x2f: {  	[tilespmem:s28], [sflag:$0x1] =	stream.indirect.gather [hbm4b:s4+s13], $0x20, s26, s13, $0xb8;
	[tilespmem:$0xC800] =	vst v63  }
0x30: {  	_ = 	snop  }
0x31: {  	[tilespmem:s30], [sflag:$0x1] =	stream.indirect.gather [hbm4b:s3+s13], $0x20, s29, s13, $0xb8;
	[tilespmem:$0xC800] =	vst v63  }
0x32: {  	_ = 	snop  }
0x33: {  	[tilespmem:s0], [sflag:$0x1] =	stream.indirect.gather [hbm4b:s4+s13], $0x20, s31, s13, $0xb8;
	[tilespmem:$0xC800] =	vst v63  }
0x34: {  	_ = 	snop  }
0x35: {  	[tilespmem:s17], [sflag:$0x1] =	stream.indirect.gather [hbm4b:s4+s13], $0x20, s2, s13, $0xb8;
	[tilespmem:$0xC800] =	vst v63  }
0x36: {  	_ =	swait.ge [sflag:s18], $0x1000  }
0x37: {  	[sflag:s18] =	ssyncset.done $0x0  }
0x38: {  	[sflag:s18] =	ssyncadd.s32 $0xFFFFF000  }
0x39: {  	_ =	swait.ge [sflag:s18], $0x1000  }
0x3a: {  	[sflag:s18] =	ssyncset.done $0x0  }
0x3b: {  	[sflag:s18] =	ssyncadd.s32 $0xFFFFF000  }
0x3c: {  	_ =	swait.ge [sflag:s18], $0x1000  }
0x3d: {  	[sflag:s18] =	ssyncset.done $0x0  }
0x3e: {  	[sflag:s18] =	ssyncadd.s32 $0xFFFFF000  }
0x3f: {  	_ =	swait.ge [sflag:s18], $0x1000  }
0x40: {  	[sflag:s18] =	ssyncset.done $0x0  }
0x41: {  	[sflag:s18] =	ssyncadd.s32 $0xFFFFF000  }
0x42: {  	_ =	swait.ge [sflag:s18], $0x1000  }
0x43: {  	[sflag:s18] =	ssyncset.done $0x0  }
0x44: {  	[sflag:s18] =	ssyncadd.s32 $0xFFFFF000  }
0x45: {  	_ =	swait.ge [sflag:s18], $0x1000  }
0x46: {  	[sflag:s18] =	ssyncset.done $0x0  }
0x47: {  	[sflag:s18] =	ssyncadd.s32 $0xFFFFF000  }
0x48: {  	_ =	swait.ge [sflag:s18], $0x1000  }
0x49: {  	[sflag:s18] =	ssyncset.done $0x0  }
0x4a: {  	[sflag:s18] =	ssyncadd.s32 $0xFFFFF000  }
0x4b: {  	_ =	swait.ge [sflag:s18], $0x1000  }
0x4c: {  	[sflag:s18] =	ssyncset.done $0x0  }
0x4d: {  	[sflag:s18] =	ssyncadd.s32 $0xFFFFF000  }
0x4e: {  	_ =	swait.ge [sflag:s18], $0x1000  }
0x4f: {  	[sflag:s18] =	ssyncset.done $0x0  }
0x50: {  	[sflag:s18] =	ssyncadd.s32 $0xFFFFF000  }
0x51: {  	_ =	swait.ge [sflag:s18], $0x1000  }
0x52: {  	v1 =	vmov s1;
	[sflag:s18] =	ssyncset.done $0x0  }
0x53: {  	v1 =	vshll.u32 v1, $0x5;
	[sflag:s18] =	ssyncadd.s32 $0xFFFFF000  }
0x54: {  	v31 =	vor.u32 v0, v1;
	_ =	swait.ge [sflag:s18], $0x1000  }
0x55: {  	v5 =	vor.u32 $0x1F, v31;
	[sflag:s18] =	ssyncset.done $0x0  }
0x56: {  	v8 =	vor.u32 $0x1C, v31;
	[sflag:s18] =	ssyncadd.s32 $0xFFFFF000  }
0x57: {  	v10 =	vor.u32 $0x1B, v31;
	_ =	swait.ge [sflag:s18], $0x1000  }
0x58: {  	v12 =	vor.u32 $0x1A, v31;
	[sflag:s18] =	ssyncset.done $0x0  }
0x59: {  	v14 =	vor.u32 $0x19, v31;
	[sflag:s18] =	ssyncadd.s32 $0xFFFFF000  }
0x5a: {  	v16 =	vor.u32 $0x18, v31;
	v1 =	vld.idx.msk [tilespmem:v5+s15+$0x0], $0xffff  }
0x5b: {  	v18 =	vor.u32 $0x17, v31;
	v7 =	vld.idx.msk [tilespmem:v8+s15+$0x0], $0xffff  }
0x5c: {  	v20 =	vor.u32 $0x16, v31;
	v9 =	vld.idx.msk [tilespmem:v10+s15+$0x0], $0xffff  }
0x5d: {  	v22 =	vor.u32 $0x15, v31;
	v11 =	vld.idx.msk [tilespmem:v12+s15+$0x0], $0xffff  }
0x5e: {  	v24 =	vor.u32 $0x14, v31;
	v13 =	vld.idx.msk [tilespmem:v14+s15+$0x0], $0xffff  }
0x5f: {  	v26 =	vor.u32 $0x13, v31;
	v15 =	vld.idx.msk [tilespmem:v16+s15+$0x0], $0xffff  }
0x60: {  	v28 =	vor.u32 $0x12, v31;
	v17 =	vld.idx.msk [tilespmem:v18+s15+$0x0], $0xffff  }
0x61: {  	v30 =	vor.u32 $0x11, v31;
	v19 =	vld.idx.msk [tilespmem:v20+s15+$0x0], $0xffff  }
0x62: {  	v32 =	vor.u32 $0x10, v31;
	v21 =	vld.idx.msk [tilespmem:v22+s15+$0x0], $0xffff  }
0x63: {  	v33 =	vor.u32 $0xF, v31;
	v23 =	vld.idx.msk [tilespmem:v24+s15+$0x0], $0xffff  }
0x64: {  	v34 =	vor.u32 $0xE, v31;
	v25 =	vld.idx.msk [tilespmem:v26+s15+$0x0], $0xffff  }
0x65: {  	v35 =	vor.u32 $0xD, v31;
	v27 =	vld.idx.msk [tilespmem:v28+s15+$0x0], $0xffff  }
0x66: {  	v36 =	vor.u32 $0xC, v31;
	v29 =	vld.idx.msk [tilespmem:v30+s15+$0x0], $0xffff  }
0x67: {  	v37 =	vor.u32 $0xB, v31;
	v38 =	vld.idx.msk [tilespmem:v32+s15+$0x0], $0xffff  }
0x68: {  	v39 =	vor.u32 $0xA, v31;
	v40 =	vld.idx.msk [tilespmem:v33+s15+$0x0], $0xffff  }
0x69: {  	v42 =	vor.u32 $0x4, v31;
	v41 =	vld.idx.msk [tilespmem:v34+s15+$0x0], $0xffff  }
0x6a: {  	v44 =	vor.u32 $0x3, v31;
	v43 =	vld.idx.msk [tilespmem:v35+s15+$0x0], $0xffff  }
0x6b: {  	v46 =	vor.u32 $0x2, v31;
	v45 =	vld.idx.msk [tilespmem:v36+s15+$0x0], $0xffff  }
0x6c: {  	v48 =	vor.u32 $0x1, v31;
	v47 =	vld.idx.msk [tilespmem:v37+s15+$0x0], $0xffff  }
0x6d: {  	v49 =	vld.idx.msk [tilespmem:v39+s15+$0x0], $0xffff  }
0x6e: {  	v50 =	vld.idx.msk [tilespmem:v42+s15+$0x0], $0xffff  }
0x6f: {  	v51 =	vld.idx.msk [tilespmem:v44+s15+$0x0], $0xffff  }
0x70: {  	v52 =	vld.idx.msk [tilespmem:v46+s15+$0x0], $0xffff  }
0x71: {  	v53 =	vld.idx.msk [tilespmem:v48+s15+$0x0], $0xffff  }
0x72: {  	v54 =	vld.idx.msk [tilespmem:v31+s15+$0x0], $0xffff  }
0x73: {  	v4 =	vor.u32 $0x1E, v31;
	v55 =	vld.idx.msk [tilespmem:v31+s16+$0x0], $0xffff  }
0x74: {  	v56 =	vld.idx.msk [tilespmem:v31+s14+$0x0], $0xffff  }
0x75: {  	v57 =	vld.idx.msk [tilespmem:v48+s14+$0x0], $0xffff  }
0x76: {  	v48 =	vld.idx.msk [tilespmem:v48+s16+$0x0], $0xffff  }
0x77: {  	v59 =	vor.u32 $0x9, v31;
	v58 =	vld.idx.msk [tilespmem:v46+s14+$0x0], $0xffff  }
0x78: {  	v6 =	vor.u32 $0x1D, v31;
	[tilespmem:$0x1FFB0] =	vst v1;
	v1 =	vld.idx.msk [tilespmem:v4+s15+$0x0], $0xffff  }
0x79: {  	v62 =	vor.u32 $0x7, v31;
	v46 =	vld.idx.msk [tilespmem:v46+s16+$0x0], $0xffff  }
0x7a: {  	v60 =	vor.u32 $0x8, v31;
	v61 =	vld.idx.msk [tilespmem:v44+s14+$0x0], $0xffff  }
0x7b: {  	v63 =	vor.u32 $0x6, v31;
	v44 =	vld.idx.msk [tilespmem:v44+s16+$0x0], $0xffff;
	v31 =	vor.u32 $0x5, v31  }
0x7c: {  	v3 =	vld.idx.msk [tilespmem:v59+s15+$0x0], $0xffff;
	v54 =	vmul.f32 v54, v56  }
0x7d: {  	v55 =	vmul.f32 v55, v56;
	[tilespmem:$0x1FFA0] =	vst v1;
	v1 =	vld.idx.msk [tilespmem:v6+s15+$0x0], $0xffff  }
0x7e: {  	v2 =	vld.idx.msk [tilespmem:v62+s15+$0x0], $0xffff;
	v53 =	vmul.f32 v53, v57;
	v54 =	vadd.f32 $0.0e+00, v54  }
0x7f: {  	v56 =	vld.idx.msk [tilespmem:v60+s15+$0x0], $0xffff;
	v48 =	vmul.f32 v48, v57;
	v55 =	vadd.f32 $0.0e+00, v55  }
0x80: {  	v53 =	vadd.f32 v53, v54;
	v54 =	vld.idx.msk [tilespmem:v31+s15+$0x0], $0xffff  }
0x81: {  	v48 =	vadd.f32 v48, v55;
	v55 =	vld.idx.msk [tilespmem:v31+s14+$0x0], $0xffff  }
0x82: {  	[tilespmem:$0x1FF90] =	vst v1;
	v1 =	vld.idx.msk [tilespmem:v42+s14+$0x0], $0xffff  }
0x83: {  	v52 =	vmul.f32 v52, v58;
	v42 =	vld.idx.msk [tilespmem:v42+s16+$0x0], $0xffff  }
0x84: {  	v46 =	vmul.f32 v46, v58;
	v31 =	vld.idx.msk [tilespmem:v31+s16+$0x0], $0xffff  }
0x85: {  	v57 =	vld.idx.msk [tilespmem:v63+s15+$0x0], $0xffff;
	v51 =	vmul.f32 v51, v61;
	v52 =	vadd.f32 v52, v53  }
0x86: {  	v44 =	vmul.f32 v44, v61;
	v46 =	vadd.f32 v46, v48;
	v48 =	vld.idx.msk [tilespmem:v63+s14+$0x0], $0xffff  }
0x87: {  	v51 =	vadd.f32 v51, v52;
	v52 =	vld.idx.msk [tilespmem:v63+s16+$0x0], $0xffff  }
0x88: {  	v44 =	vadd.f32 v44, v46;
	v50 =	vmul.f32 v50, v1;
	v1 =	vmul.f32 v42, v1;
	v42 =	vld.idx.msk [tilespmem:v62+s14+$0x0], $0xffff  }
0x89: {  	v61 =	vld.idx.msk [tilespmem:v62+s16+$0x0], $0xffff;
	v31 =	vmul.f32 v31, v55  }
0x8a: {  	v62 =	vmul.f32 v54, v55;
	v58 =	vadd.f32 v50, v51;
	v1 =	vadd.f32 v1, v44;
	v51 =	vld.idx.msk [tilespmem:v60+s14+$0x0], $0xffff  }
0x8b: {  	v63 =	vld.idx.msk [tilespmem:v60+s16+$0x0], $0xffff;
	v57 =	vmul.f32 v57, v48  }
0x8c: {  	v44 =	vadd.f32 v62, v58;
	v58 =	vld.idx.msk [tilespmem:v59+s14+$0x0], $0xffff;
	v1 =	vadd.f32 v31, v1;
	v31 =	vmul.f32 v52, v48  }
0x8d: {  	v59 =	vld.idx.msk [tilespmem:v59+s16+$0x0], $0xffff;
	v2 =	vmul.f32 v2, v42  }
0x8e: {  	v60 =	vld.idx.msk [tilespmem:v39+s14+$0x0], $0xffff;
	v44 =	vadd.f32 v57, v44;
	v1 =	vadd.f32 v31, v1;
	v31 =	vmul.f32 v61, v42  }
0x8f: {  	v39 =	vld.idx.msk [tilespmem:v39+s16+$0x0], $0xffff;
	v61 =	vmul.f32 v56, v51  }
0x90: {  	v62 =	vld.idx.msk [tilespmem:v37+s14+$0x0], $0xffff;
	v2 =	vadd.f32 v2, v44;
	v1 =	vadd.f32 v31, v1;
	v31 =	vmul.f32 v63, v51  }
0x91: {  	v37 =	vld.idx.msk [tilespmem:v37+s16+$0x0], $0xffff;
	v3 =	vmul.f32 v3, v58  }
0x92: {  	v63 =	vld.idx.msk [tilespmem:v36+s14+$0x0], $0xffff;
	v2 =	vadd.f32 v61, v2;
	v1 =	vadd.f32 v31, v1;
	v31 =	vmul.f32 v59, v58  }
0x93: {  	v49 =	vmul.f32 v49, v60;
	v36 =	vld.idx.msk [tilespmem:v36+s16+$0x0], $0xffff  }
0x94: {  	v51 =	vld.idx.msk [tilespmem:v35+s14+$0x0], $0xffff;
	v2 =	vadd.f32 v3, v2;
	v1 =	vadd.f32 v31, v1;
	v3 =	vmul.f32 v39, v60  }
0x95: {  	v52 =	vmul.f32 v47, v62;
	v31 =	vld.idx.msk [tilespmem:v35+s16+$0x0], $0xffff  }
0x96: {  	v53 =	vld.idx.msk [tilespmem:v34+s14+$0x0], $0xffff;
	v2 =	vadd.f32 v49, v2;
	v1 =	vadd.f32 v3, v1;
	v3 =	vmul.f32 v37, v62  }
0x97: {  	v34 =	vld.idx.msk [tilespmem:v34+s16+$0x0], $0xffff;
	v54 =	vmul.f32 v45, v63  }
0x98: {  	v55 =	vld.idx.msk [tilespmem:v33+s14+$0x0], $0xffff;
	v2 =	vadd.f32 v52, v2;
	v1 =	vadd.f32 v3, v1;
	v3 =	vmul.f32 v36, v63  }
0x99: {  	v33 =	vld.idx.msk [tilespmem:v33+s16+$0x0], $0xffff;
	v56 =	vmul.f32 v43, v51  }
0x9a: {  	v57 =	vld.idx.msk [tilespmem:v32+s14+$0x0], $0xffff;
	v2 =	vadd.f32 v54, v2;
	v1 =	vadd.f32 v3, v1;
	v3 =	vmul.f32 v31, v51  }
0x9b: {  	v58 =	vmul.f32 v41, v53;
	v31 =	vld.idx.msk [tilespmem:v32+s16+$0x0], $0xffff  }
0x9c: {  	v59 =	vld.idx.msk [tilespmem:v30+s14+$0x0], $0xffff;
	v2 =	vadd.f32 v56, v2;
	v1 =	vadd.f32 v3, v1;
	v3 =	vmul.f32 v34, v53  }
0x9d: {  	v30 =	vld.idx.msk [tilespmem:v30+s16+$0x0], $0xffff;
	v60 =	vmul.f32 v40, v55  }
0x9e: {  	v61 =	vld.idx.msk [tilespmem:v28+s14+$0x0], $0xffff;
	v2 =	vadd.f32 v58, v2;
	v1 =	vadd.f32 v3, v1;
	v3 =	vmul.f32 v33, v55  }
0x9f: {  	v28 =	vld.idx.msk [tilespmem:v28+s16+$0x0], $0xffff;
	v62 =	vmul.f32 v38, v57  }
0xa0: {  	v63 =	vld.idx.msk [tilespmem:v26+s14+$0x0], $0xffff;
	v2 =	vadd.f32 v60, v2;
	v1 =	vadd.f32 v3, v1;
	v3 =	vmul.f32 v31, v57  }
0xa1: {  	v29 =	vmul.f32 v29, v59;
	v26 =	vld.idx.msk [tilespmem:v26+s16+$0x0], $0xffff  }
0xa2: {  	v31 =	vld.idx.msk [tilespmem:v24+s14+$0x0], $0xffff;
	v2 =	vadd.f32 v62, v2;
	v1 =	vadd.f32 v3, v1;
	v3 =	vmul.f32 v30, v59  }
0xa3: {  	v27 =	vmul.f32 v27, v61;
	v24 =	vld.idx.msk [tilespmem:v24+s16+$0x0], $0xffff  }
0xa4: {  	v30 =	vld.idx.msk [tilespmem:v22+s14+$0x0], $0xffff;
	v2 =	vadd.f32 v29, v2;
	v1 =	vadd.f32 v3, v1;
	v3 =	vmul.f32 v28, v61  }
0xa5: {  	v25 =	vmul.f32 v25, v63;
	v22 =	vld.idx.msk [tilespmem:v22+s16+$0x0], $0xffff  }
0xa6: {  	v28 =	vld.idx.msk [tilespmem:v20+s14+$0x0], $0xffff;
	v2 =	vadd.f32 v27, v2;
	v1 =	vadd.f32 v3, v1;
	v3 =	vmul.f32 v26, v63  }
0xa7: {  	v20 =	vld.idx.msk [tilespmem:v20+s16+$0x0], $0xffff;
	v23 =	vmul.f32 v23, v31  }
0xa8: {  	v26 =	vld.idx.msk [tilespmem:v18+s14+$0x0], $0xffff;
	v2 =	vadd.f32 v25, v2;
	v1 =	vadd.f32 v3, v1;
	v3 =	vmul.f32 v24, v31  }
0xa9: {  	v18 =	vld.idx.msk [tilespmem:v18+s16+$0x0], $0xffff;
	v21 =	vmul.f32 v21, v30  }
0xaa: {  	v24 =	vld.idx.msk [tilespmem:v16+s14+$0x0], $0xffff;
	v2 =	vadd.f32 v23, v2;
	v1 =	vadd.f32 v3, v1;
	v3 =	vmul.f32 v22, v30  }
0xab: {  	v16 =	vld.idx.msk [tilespmem:v16+s16+$0x0], $0xffff;
	v19 =	vmul.f32 v19, v28  }
0xac: {  	v22 =	vld.idx.msk [tilespmem:v14+s14+$0x0], $0xffff;
	v2 =	vadd.f32 v21, v2;
	v1 =	vadd.f32 v3, v1;
	v3 =	vmul.f32 v20, v28  }
0xad: {  	v14 =	vld.idx.msk [tilespmem:v14+s16+$0x0], $0xffff;
	v17 =	vmul.f32 v17, v26  }
0xae: {  	v20 =	vld.idx.msk [tilespmem:v12+s14+$0x0], $0xffff;
	v2 =	vadd.f32 v19, v2;
	v1 =	vadd.f32 v3, v1;
	v3 =	vmul.f32 v18, v26  }
0xaf: {  	v12 =	vld.idx.msk [tilespmem:v12+s16+$0x0], $0xffff;
	v15 =	vmul.f32 v15, v24  }
0xb0: {  	v18 =	vld.idx.msk [tilespmem:v10+s14+$0x0], $0xffff;
	v2 =	vadd.f32 v17, v2;
	v1 =	vadd.f32 v3, v1;
	v3 =	vmul.f32 v16, v24  }
0xb1: {  	v10 =	vld.idx.msk [tilespmem:v10+s16+$0x0], $0xffff;
	v13 =	vmul.f32 v13, v22  }
0xb2: {  	v16 =	vld.idx.msk [tilespmem:v8+s14+$0x0], $0xffff;
	v2 =	vadd.f32 v15, v2;
	v1 =	vadd.f32 v3, v1;
	v3 =	vmul.f32 v14, v22  }
0xb3: {  	v8 =	vld.idx.msk [tilespmem:v8+s16+$0x0], $0xffff;
	v11 =	vmul.f32 v11, v20  }
0xb4: {  	v14 =	vld.idx.msk [tilespmem:v6+s14+$0x0], $0xffff;
	v2 =	vadd.f32 v13, v2;
	v1 =	vadd.f32 v3, v1;
	v3 =	vmul.f32 v12, v20  }
0xb5: {  	v6 =	vld.idx.msk [tilespmem:v6+s16+$0x0], $0xffff;
	v9 =	vmul.f32 v9, v18  }
0xb6: {  	v12 =	vld.idx.msk [tilespmem:v4+s14+$0x0], $0xffff;
	v2 =	vadd.f32 v11, v2;
	v1 =	vadd.f32 v3, v1;
	v3 =	vmul.f32 v10, v18  }
0xb7: {  	v4 =	vld.idx.msk [tilespmem:v4+s16+$0x0], $0xffff;
	v7 =	vmul.f32 v7, v16  }
0xb8: {  	v2 =	vadd.f32 v9, v2;
	v1 =	vadd.f32 v3, v1;
	v3 =	vmul.f32 v8, v16;
	v8 =	vld [tilespmem:$0x1FF90]  }
0xb9: {  	v10 =	vld.idx.msk [tilespmem:v5+s14+$0x0], $0xffff  }
0xba: {  	s22 =	simm.s32 $0x10;
	v2 =	vadd.f32 v7, v2;
	v1 =	vadd.f32 v3, v1;
	v3 =	vmul.f32 v6, v14;
	v7 =	vld [tilespmem:$0x1FFA0]  }
0xbb: {  	v5 =	vld.idx.msk [tilespmem:v5+s16+$0x0], $0xffff;
	v6 =	vmov s22  }
0xbc: {  	v1 =	vadd.f32 v3, v1;
	v3 =	vmul.f32 v4, v12;
	v4 =	vshll.u32 v6, $0x5;
	v6 =	vld [tilespmem:$0x1FFB0]  }
0xbd: {  	v8 =	vmul.f32 v8, v14;
	_ =	sdelay $0x1  }
0xbe: {  	v7 =	vmul.f32 v7, v12;
	v2 =	vadd.f32 v8, v2  }
0xbf: {  	v5 =	vmul.f32 v5, v10  }
0xc0: {  	v3 =	vadd.f32 v3, v1;
	v6 =	vmul.f32 v6, v10;
	v2 =	vadd.f32 v7, v2  }
0xc1: {  	v46 =	vor.u32 v0, v4  }
0xc2: {  	v1 =	vor.u32 $0x1F, v46;
	v3 =	vadd.f32 v5, v3;
	v2 =	vadd.f32 v6, v2  }
0xc3: {  	v4 =	vor.u32 $0x1E, v46  }
0xc4: {  	v6 =	vor.u32 $0x1D, v46;
	v2 =	vsub.f32 v3, v2  }
0xc5: {  	v10 =	vor.u32 $0x1B, v46  }
0xc6: {  	v12 =	vor.u32 $0x1A, v46;
	[tilespmem:s19+$0x0] =	vst v2  }
0xc7: {  	v14 =	vor.u32 $0x19, v46;
	v63 =	vld.idx.msk [tilespmem:v1+s15+$0x0], $0xffff  }
0xc8: {  	v16 =	vor.u32 $0x18, v46;
	v2 =	vld.idx.msk [tilespmem:v4+s15+$0x0], $0xffff  }
0xc9: {  	v18 =	vor.u32 $0x17, v46;
	v0 =	vld.idx.msk [tilespmem:v6+s15+$0x0], $0xffff  }
0xca: {  	v20 =	vor.u32 $0x16, v46;
	v9 =	vld.idx.msk [tilespmem:v10+s15+$0x0], $0xffff  }
0xcb: {  	v22 =	vor.u32 $0x15, v46;
	v11 =	vld.idx.msk [tilespmem:v12+s15+$0x0], $0xffff  }
0xcc: {  	v24 =	vor.u32 $0x14, v46;
	v13 =	vld.idx.msk [tilespmem:v14+s15+$0x0], $0xffff  }
0xcd: {  	v26 =	vor.u32 $0x13, v46;
	v15 =	vld.idx.msk [tilespmem:v16+s15+$0x0], $0xffff  }
0xce: {  	v28 =	vor.u32 $0x12, v46;
	v17 =	vld.idx.msk [tilespmem:v18+s15+$0x0], $0xffff  }
0xcf: {  	v30 =	vor.u32 $0x11, v46;
	v19 =	vld.idx.msk [tilespmem:v20+s15+$0x0], $0xffff  }
0xd0: {  	v32 =	vor.u32 $0x10, v46;
	v21 =	vld.idx.msk [tilespmem:v22+s15+$0x0], $0xffff  }
0xd1: {  	v34 =	vor.u32 $0xF, v46;
	v23 =	vld.idx.msk [tilespmem:v24+s15+$0x0], $0xffff  }
0xd2: {  	v36 =	vor.u32 $0xE, v46;
	v25 =	vld.idx.msk [tilespmem:v26+s15+$0x0], $0xffff  }
0xd3: {  	v38 =	vor.u32 $0xD, v46;
	v27 =	vld.idx.msk [tilespmem:v28+s15+$0x0], $0xffff  }
0xd4: {  	v40 =	vor.u32 $0xC, v46;
	v29 =	vld.idx.msk [tilespmem:v30+s15+$0x0], $0xffff  }
0xd5: {  	v42 =	vor.u32 $0xB, v46;
	v31 =	vld.idx.msk [tilespmem:v32+s15+$0x0], $0xffff  }
0xd6: {  	v44 =	vor.u32 $0xA, v46;
	v33 =	vld.idx.msk [tilespmem:v34+s15+$0x0], $0xffff  }
0xd7: {  	v8 =	vor.u32 $0x1C, v46;
	v35 =	vld.idx.msk [tilespmem:v36+s15+$0x0], $0xffff  }
0xd8: {  	v47 =	vor.u32 $0x9, v46;
	v37 =	vld.idx.msk [tilespmem:v38+s15+$0x0], $0xffff  }
0xd9: {  	v49 =	vor.u32 $0x8, v46;
	v39 =	vld.idx.msk [tilespmem:v40+s15+$0x0], $0xffff  }
0xda: {  	v51 =	vor.u32 $0x7, v46;
	v41 =	vld.idx.msk [tilespmem:v42+s15+$0x0], $0xffff  }
0xdb: {  	v53 =	vor.u32 $0x6, v46;
	v43 =	vld.idx.msk [tilespmem:v44+s15+$0x0], $0xffff  }
0xdc: {  	v55 =	vor.u32 $0x5, v46;
	[tilespmem:$0x1FFD0] =	vst v0;
	v0 =	vld.idx.msk [tilespmem:v8+s15+$0x0], $0xffff  }
0xdd: {  	v45 =	vld.idx.msk [tilespmem:v47+s15+$0x0], $0xffff  }
0xde: {  	v48 =	vld.idx.msk [tilespmem:v49+s15+$0x0], $0xffff  }
0xdf: {  	v50 =	vld.idx.msk [tilespmem:v51+s15+$0x0], $0xffff  }
0xe0: {  	v56 =	vor.u32 $0x4, v46;
	v52 =	vld.idx.msk [tilespmem:v53+s15+$0x0], $0xffff;
	[tilespmem:$0x1FFC0] =	vst v2  }
0xe1: {  	s21 =	simm.s32 $0xC600;
	s22 =	simm.s32 $0x20;
	v57 =	vor.u32 $0x3, v46;
	v58 =	vor.u32 $0x2, v46;
	v59 =	vor.u32 $0x1, v46;
	v54 =	vld.idx.msk [tilespmem:v55+s15+$0x0], $0xffff;
	[tilespmem:$0x1FFE0] =	vst v0  }
.LBB2_2:
0xe2: {  	_ =	sdelay $0x2  }
0xe3: {  	v60 =	vld.idx.msk [tilespmem:v56+s15+$0x0], $0xffff  }
0xe4: {  	v61 =	vld.idx.msk [tilespmem:v57+s15+$0x0], $0xffff  }
0xe5: {  	v62 =	vld.idx.msk [tilespmem:v58+s15+$0x0], $0xffff  }
0xe6: {  	v0 =	vld.idx.msk [tilespmem:v46+s15+$0x0], $0xffff  }
0xe7: {  	v2 =	vld.idx.msk [tilespmem:v46+s16+$0x0], $0xffff  }
0xe8: {  	v46 =	vld.idx.msk [tilespmem:v46+s14+$0x0], $0xffff  }
0xe9: {  	v3 =	vld.idx.msk [tilespmem:v59+s14+$0x0], $0xffff  }
0xea: {  	[tilespmem:$0x1FF80] =	vst v63;
	v63 =	vld.idx.msk [tilespmem:v59+s15+$0x0], $0xffff  }
0xeb: {  	v59 =	vld.idx.msk [tilespmem:v59+s16+$0x0], $0xffff  }
0xec: {  	v5 =	vld.idx.msk [tilespmem:v58+s14+$0x0], $0xffff  }
0xed: {  	v58 =	vld.idx.msk [tilespmem:v58+s16+$0x0], $0xffff  }
0xee: {  	v7 =	vld.idx.msk [tilespmem:v57+s14+$0x0], $0xffff;
	v2 =	vmul.f32 v2, v46  }
0xef: {  	v0 =	vmul.f32 v0, v46;
	v46 =	vld.idx.msk [tilespmem:v57+s16+$0x0], $0xffff  }
0xf0: {  	v2 =	vadd.f32 $0.0e+00, v2;
	v57 =	vmul.f32 v63, v3;
	v63 =	vld.idx.msk [tilespmem:v56+s14+$0x0], $0xffff;
	v3 =	vmul.f32 v59, v3  }
0xf1: {  	v0 =	vadd.f32 $0.0e+00, v0;
	v56 =	vld.idx.msk [tilespmem:v56+s16+$0x0], $0xffff  }
0xf2: {  	v59 =	vmul.f32 v62, v5;
	v62 =	vld.idx.msk [tilespmem:v55+s14+$0x0], $0xffff;
	v2 =	vadd.f32 v3, v2;
	v3 =	vmul.f32 v58, v5  }
0xf3: {  	v0 =	vadd.f32 v57, v0;
	v5 =	vld.idx.msk [tilespmem:v55+s16+$0x0], $0xffff  }
0xf4: {  	v57 =	vld.idx.msk [tilespmem:v53+s14+$0x0], $0xffff;
	v2 =	vadd.f32 v3, v2;
	v3 =	vmul.f32 v46, v7  }
0xf5: {  	v55 =	vmul.f32 v61, v7;
	v0 =	vadd.f32 v59, v0;
	v7 =	vld.idx.msk [tilespmem:v53+s16+$0x0], $0xffff  }
0xf6: {  	v61 =	vld.idx.msk [tilespmem:v51+s14+$0x0], $0xffff;
	v2 =	vadd.f32 v3, v2;
	v3 =	vmul.f32 v56, v63  }
0xf7: {  	v60 =	vmul.f32 v60, v63;
	v0 =	vadd.f32 v55, v0;
	v63 =	vld.idx.msk [tilespmem:v51+s16+$0x0], $0xffff  }
0xf8: {  	v55 =	vld.idx.msk [tilespmem:v49+s14+$0x0], $0xffff;
	v2 =	vadd.f32 v3, v2;
	v3 =	vmul.f32 v5, v62  }
0xf9: {  	v54 =	vmul.f32 v54, v62;
	v0 =	vadd.f32 v60, v0;
	v5 =	vld.idx.msk [tilespmem:v49+s16+$0x0], $0xffff  }
0xfa: {  	v58 =	vld.idx.msk [tilespmem:v47+s14+$0x0], $0xffff;
	v2 =	vadd.f32 v3, v2;
	v3 =	vmul.f32 v7, v57  }
0xfb: {  	v56 =	vmul.f32 v52, v57;
	v0 =	vadd.f32 v54, v0;
	v7 =	vld.idx.msk [tilespmem:v47+s16+$0x0], $0xffff  }
0xfc: {  	v60 =	vld.idx.msk [tilespmem:v44+s14+$0x0], $0xffff;
	v2 =	vadd.f32 v3, v2;
	v3 =	vmul.f32 v63, v61  }
0xfd: {  	v59 =	vmul.f32 v50, v61;
	v0 =	vadd.f32 v56, v0;
	v61 =	vld.idx.msk [tilespmem:v44+s16+$0x0], $0xffff  }
0xfe: {  	v63 =	vld.idx.msk [tilespmem:v42+s14+$0x0], $0xffff;
	v2 =	vadd.f32 v3, v2;
	v3 =	vmul.f32 v5, v55  }
0xff: {  	v62 =	vmul.f32 v48, v55;
	v0 =	vadd.f32 v59, v0;
	v5 =	vld.idx.msk [tilespmem:v42+s16+$0x0], $0xffff  }
0x100: {  	v52 =	vld.idx.msk [tilespmem:v40+s14+$0x0], $0xffff;
	v2 =	vadd.f32 v3, v2;
	v3 =	vmul.f32 v7, v58  }
0x101: {  	v51 =	vmul.f32 v45, v58;
	v0 =	vadd.f32 v62, v0;
	v7 =	vld.idx.msk [tilespmem:v40+s16+$0x0], $0xffff  }
0x102: {  	v54 =	vld.idx.msk [tilespmem:v38+s14+$0x0], $0xffff;
	v2 =	vadd.f32 v3, v2;
	v3 =	vmul.f32 v61, v60  }
0x103: {  	v53 =	vmul.f32 v43, v60;
	v55 =	vld.idx.msk [tilespmem:v38+s16+$0x0], $0xffff;
	v0 =	vadd.f32 v51, v0  }
0x104: {  	v56 =	vld.idx.msk [tilespmem:v36+s14+$0x0], $0xffff;
	v2 =	vadd.f32 v3, v2;
	v3 =	vmul.f32 v5, v63  }
0x105: {  	v41 =	vmul.f32 v41, v63;
	v0 =	vadd.f32 v53, v0;
	v5 =	vld.idx.msk [tilespmem:v36+s16+$0x0], $0xffff  }
0x106: {  	v58 =	vld.idx.msk [tilespmem:v34+s14+$0x0], $0xffff;
	v2 =	vadd.f32 v3, v2;
	v3 =	vmul.f32 v7, v52  }
0x107: {  	v57 =	vmul.f32 v39, v52;
	v0 =	vadd.f32 v41, v0;
	v7 =	vld.idx.msk [tilespmem:v34+s16+$0x0], $0xffff  }
0x108: {  	v60 =	vld.idx.msk [tilespmem:v32+s14+$0x0], $0xffff;
	v2 =	vadd.f32 v3, v2;
	v3 =	vmul.f32 v55, v54  }
0x109: {  	v59 =	vmul.f32 v37, v54;
	v61 =	vld.idx.msk [tilespmem:v32+s16+$0x0], $0xffff;
	v0 =	vadd.f32 v57, v0  }
0x10a: {  	v62 =	vld.idx.msk [tilespmem:v30+s14+$0x0], $0xffff;
	v2 =	vadd.f32 v3, v2;
	v3 =	vmul.f32 v5, v56  }
0x10b: {  	v35 =	vmul.f32 v35, v56;
	v0 =	vadd.f32 v59, v0;
	v5 =	vld.idx.msk [tilespmem:v30+s16+$0x0], $0xffff  }
0x10c: {  	v63 =	vld.idx.msk [tilespmem:v28+s14+$0x0], $0xffff;
	v2 =	vadd.f32 v3, v2;
	v3 =	vmul.f32 v7, v58  }
0x10d: {  	v30 =	vmul.f32 v33, v58;
	v0 =	vadd.f32 v35, v0;
	v7 =	vld.idx.msk [tilespmem:v28+s16+$0x0], $0xffff  }
0x10e: {  	v28 =	vmul.f32 v31, v60;
	v31 =	vld.idx.msk [tilespmem:v26+s14+$0x0], $0xffff;
	v2 =	vadd.f32 v3, v2;
	v3 =	vmul.f32 v61, v60  }
0x10f: {  	v26 =	vld.idx.msk [tilespmem:v26+s16+$0x0], $0xffff;
	v0 =	vadd.f32 v30, v0  }
0x110: {  	v30 =	vld.idx.msk [tilespmem:v24+s14+$0x0], $0xffff;
	v2 =	vadd.f32 v3, v2;
	v3 =	vmul.f32 v5, v62  }
0x111: {  	v29 =	vmul.f32 v29, v62;
	v0 =	vadd.f32 v28, v0;
	v5 =	vld.idx.msk [tilespmem:v24+s16+$0x0], $0xffff  }
0x112: {  	v24 =	vmul.f32 v27, v63;
	v27 =	vld.idx.msk [tilespmem:v22+s14+$0x0], $0xffff;
	v2 =	vadd.f32 v3, v2;
	v3 =	vmul.f32 v7, v63  }
0x113: {  	v0 =	vadd.f32 v29, v0;
	v7 =	vld.idx.msk [tilespmem:v22+s16+$0x0], $0xffff  }
0x114: {  	v22 =	vmul.f32 v25, v31;
	v25 =	vld.idx.msk [tilespmem:v20+s14+$0x0], $0xffff;
	v2 =	vadd.f32 v3, v2;
	v3 =	vmul.f32 v26, v31  }
0x115: {  	v20 =	vld.idx.msk [tilespmem:v20+s16+$0x0], $0xffff;
	v0 =	vadd.f32 v24, v0  }
0x116: {  	v24 =	vld.idx.msk [tilespmem:v18+s14+$0x0], $0xffff;
	v2 =	vadd.f32 v3, v2;
	v3 =	vmul.f32 v5, v30  }
0x117: {  	v23 =	vmul.f32 v23, v30;
	v0 =	vadd.f32 v22, v0;
	v5 =	vld.idx.msk [tilespmem:v18+s16+$0x0], $0xffff  }
0x118: {  	v18 =	vmul.f32 v21, v27;
	v21 =	vld.idx.msk [tilespmem:v16+s14+$0x0], $0xffff;
	v2 =	vadd.f32 v3, v2;
	v3 =	vmul.f32 v7, v27  }
0x119: {  	v0 =	vadd.f32 v23, v0;
	v7 =	vld.idx.msk [tilespmem:v16+s16+$0x0], $0xffff  }
0x11a: {  	v16 =	vmul.f32 v19, v25;
	v19 =	vld.idx.msk [tilespmem:v14+s14+$0x0], $0xffff;
	v2 =	vadd.f32 v3, v2;
	v3 =	vmul.f32 v20, v25  }
0x11b: {  	v14 =	vld.idx.msk [tilespmem:v14+s16+$0x0], $0xffff;
	v0 =	vadd.f32 v18, v0  }
0x11c: {  	v18 =	vld.idx.msk [tilespmem:v12+s14+$0x0], $0xffff;
	v2 =	vadd.f32 v3, v2;
	v3 =	vmul.f32 v5, v24  }
0x11d: {  	v17 =	vmul.f32 v17, v24;
	v0 =	vadd.f32 v16, v0;
	v5 =	vld.idx.msk [tilespmem:v12+s16+$0x0], $0xffff  }
0x11e: {  	v12 =	vmul.f32 v15, v21;
	v15 =	vld.idx.msk [tilespmem:v10+s14+$0x0], $0xffff;
	v2 =	vadd.f32 v3, v2;
	v3 =	vmul.f32 v7, v21  }
0x11f: {  	v0 =	vadd.f32 v17, v0;
	v7 =	vld.idx.msk [tilespmem:v10+s16+$0x0], $0xffff  }
0x120: {  	v10 =	vmul.f32 v13, v19;
	v13 =	vld.idx.msk [tilespmem:v8+s14+$0x0], $0xffff;
	v2 =	vadd.f32 v3, v2;
	v3 =	vmul.f32 v14, v19  }
0x121: {  	v8 =	vld.idx.msk [tilespmem:v8+s16+$0x0], $0xffff  }
0x122: {  	v0 =	vadd.f32 v12, v0;
	v12 =	vld.idx.msk [tilespmem:v6+s14+$0x0], $0xffff;
	v2 =	vadd.f32 v3, v2;
	v3 =	vmul.f32 v5, v18  }
0x123: {  	v5 =	vld.idx.msk [tilespmem:v6+s16+$0x0], $0xffff  }
0x124: {  	v2 =	vadd.f32 v3, v2;
	v3 =	vmul.f32 v7, v15;
	v7 =	vld [tilespmem:$0x1FFE0]  }
0x125: {  	v11 =	vmul.f32 v11, v18;
	v0 =	vadd.f32 v10, v0;
	v6 =	vmul.f32 v9, v15;
	v9 =	vld.idx.msk [tilespmem:v4+s14+$0x0], $0xffff  }
0x126: {  	v4 =	vld.idx.msk [tilespmem:v4+s16+$0x0], $0xffff  }
0x127: {  	v10 =	vld.idx.msk [tilespmem:v1+s14+$0x0], $0xffff;
	v0 =	vadd.f32 v11, v0  }
0x128: {  	v1 =	vld.idx.msk [tilespmem:v1+s16+$0x0], $0xffff;
	v2 =	vadd.f32 v3, v2;
	v3 =	vmul.f32 v8, v13  }
0x129: {  	v0 =	vadd.f32 v6, v0;
	v6 =	vld [tilespmem:$0x1FFD0];
	v7 =	vmul.f32 v7, v13  }
0x12a: {  	v2 =	vadd.f32 v3, v2;
	v3 =	vmul.f32 v5, v12  }
0x12b: {  	v0 =	vadd.f32 v7, v0;
	v7 =	vld [tilespmem:$0x1FFC0]  }
0x12c: {  	v5 =	vmov s22;
	v2 =	vadd.f32 v3, v2;
	v3 =	vmul.f32 v4, v9  }
0x12d: {  	v4 =	vshll.u32 v5, $0x5;
	v5 =	vld [tilespmem:$0x1FF80]  }
0x12e: {  	v6 =	vmul.f32 v6, v12;
	v2 =	vadd.f32 v3, v2;
	v3 =	vmul.f32 v1, v10;
	v1 =	vld [tilespmem:$0x1FFF0];
	_ =	sdelay $0x1  }
0x12f: {  	v0 =	vadd.f32 v6, v0;
	v7 =	vmul.f32 v7, v9;
	_ =	sdelay $0x1  }
0x130: {  	v5 =	vmul.f32 v5, v10;
	v0 =	vadd.f32 v7, v0  }
0x131: {  	v46 =	vor.u32 v1, v4  }
0x132: {  	v2 =	vadd.f32 v3, v2;
	v1 =	vor.u32 $0x1F, v46;
	v0 =	vadd.f32 v5, v0  }
0x133: {  	v4 =	vor.u32 $0x1E, v46  }
0x134: {  	v10 =	vor.u32 $0x1B, v46;
	v0 =	vsub.f32 v2, v0  }
0x135: {  	s21 =	sadd.s32 $0x10, s21;
	v12 =	vor.u32 $0x1A, v46  }
0x136: {  	v14 =	vor.u32 $0x19, v46;
	[tilespmem:s21+$0x0] =	vst v0  }
0x137: {  	v16 =	vor.u32 $0x18, v46;
	v63 =	vld.idx.msk [tilespmem:v1+s15+$0x0], $0xffff  }
0x138: {  	v18 =	vor.u32 $0x17, v46;
	v0 =	vld.idx.msk [tilespmem:v4+s15+$0x0], $0xffff  }
0x139: {  	v20 =	vor.u32 $0x16, v46;
	v9 =	vld.idx.msk [tilespmem:v10+s15+$0x0], $0xffff  }
0x13a: {  	v22 =	vor.u32 $0x15, v46;
	v11 =	vld.idx.msk [tilespmem:v12+s15+$0x0], $0xffff  }
0x13b: {  	v24 =	vor.u32 $0x14, v46;
	v13 =	vld.idx.msk [tilespmem:v14+s15+$0x0], $0xffff  }
0x13c: {  	v26 =	vor.u32 $0x13, v46;
	v15 =	vld.idx.msk [tilespmem:v16+s15+$0x0], $0xffff  }
0x13d: {  	v28 =	vor.u32 $0x12, v46;
	v17 =	vld.idx.msk [tilespmem:v18+s15+$0x0], $0xffff  }
0x13e: {  	v30 =	vor.u32 $0x11, v46;
	v19 =	vld.idx.msk [tilespmem:v20+s15+$0x0], $0xffff  }
0x13f: {  	v32 =	vor.u32 $0x10, v46;
	v21 =	vld.idx.msk [tilespmem:v22+s15+$0x0], $0xffff  }
0x140: {  	v34 =	vor.u32 $0xF, v46;
	v23 =	vld.idx.msk [tilespmem:v24+s15+$0x0], $0xffff  }
0x141: {  	v36 =	vor.u32 $0xE, v46;
	v25 =	vld.idx.msk [tilespmem:v26+s15+$0x0], $0xffff  }
0x142: {  	v6 =	vor.u32 $0x1D, v46;
	v27 =	vld.idx.msk [tilespmem:v28+s15+$0x0], $0xffff  }
0x143: {  	v38 =	vor.u32 $0xD, v46;
	v29 =	vld.idx.msk [tilespmem:v30+s15+$0x0], $0xffff  }
0x144: {  	v40 =	vor.u32 $0xC, v46;
	v31 =	vld.idx.msk [tilespmem:v32+s15+$0x0], $0xffff  }
0x145: {  	v42 =	vor.u32 $0xB, v46;
	v33 =	vld.idx.msk [tilespmem:v34+s15+$0x0], $0xffff  }
0x146: {  	v44 =	vor.u32 $0xA, v46;
	v35 =	vld.idx.msk [tilespmem:v36+s15+$0x0], $0xffff  }
0x147: {  	v8 =	vor.u32 $0x1C, v46;
	[tilespmem:$0x1FFC0] =	vst v0;
	v0 =	vld.idx.msk [tilespmem:v6+s15+$0x0], $0xffff  }
0x148: {  	v47 =	vor.u32 $0x9, v46;
	v37 =	vld.idx.msk [tilespmem:v38+s15+$0x0], $0xffff  }
0x149: {  	v49 =	vor.u32 $0x8, v46;
	v39 =	vld.idx.msk [tilespmem:v40+s15+$0x0], $0xffff  }
0x14a: {  	v51 =	vor.u32 $0x7, v46;
	v41 =	vld.idx.msk [tilespmem:v42+s15+$0x0], $0xffff  }
0x14b: {  	v53 =	vor.u32 $0x6, v46;
	v43 =	vld.idx.msk [tilespmem:v44+s15+$0x0], $0xffff  }
0x14c: {  	p0 =	sne.s32 s22, $0x1F0;
	v55 =	vor.u32 $0x5, v46;
	[tilespmem:$0x1FFD0] =	vst v0;
	v0 =	vld.idx.msk [tilespmem:v8+s15+$0x0], $0xffff  }
.Ltmp0:
0x14d: {  	v45 =	vld.idx.msk [tilespmem:v47+s15+$0x0], $0xffff;
	(pc) =	sbr.rel @p0 .LBB2_2-.Ltmp0, $4  }
0x14e: {  	v48 =	vld.idx.msk [tilespmem:v49+s15+$0x0], $0xffff  }
0x14f: {  	v50 =	vld.idx.msk [tilespmem:v51+s15+$0x0], $0xffff  }
0x150: {  	v56 =	vor.u32 $0x4, v46;
	v52 =	vld.idx.msk [tilespmem:v53+s15+$0x0], $0xffff  }
0x151: {  	s22 =	sadd.s32 $0x10, s22;
	v57 =	vor.u32 $0x3, v46;
	v58 =	vor.u32 $0x2, v46;
	v59 =	vor.u32 $0x1, v46;
	v54 =	vld.idx.msk [tilespmem:v55+s15+$0x0], $0xffff;
	[tilespmem:$0x1FFE0] =	vst v0  }
0x152: {  	_ =	sdelay $0x3  }
0x153: {  	v0 =	vld.idx.msk [tilespmem:v58+s15+$0x0], $0xffff  }
0x154: {  	v2 =	vld.idx.msk [tilespmem:v59+s15+$0x0], $0xffff  }
0x155: {  	v3 =	vld.idx.msk [tilespmem:v46+s15+$0x0], $0xffff  }
0x156: {  	v5 =	vld.idx.msk [tilespmem:v46+s16+$0x0], $0xffff  }
0x157: {  	v7 =	vld.idx.msk [tilespmem:v46+s14+$0x0], $0xffff  }
0x158: {  	v46 =	vld.idx.msk [tilespmem:v59+s14+$0x0], $0xffff  }
0x159: {  	v59 =	vld.idx.msk [tilespmem:v59+s16+$0x0], $0xffff  }
0x15a: {  	v60 =	vld.idx.msk [tilespmem:v58+s14+$0x0], $0xffff  }
0x15b: {  	v58 =	vld.idx.msk [tilespmem:v58+s16+$0x0], $0xffff  }
0x15c: {  	v61 =	vld.idx.msk [tilespmem:v57+s15+$0x0], $0xffff  }
0x15d: {  	v62 =	vld.idx.msk [tilespmem:v57+s14+$0x0], $0xffff  }
0x15e: {  	v3 =	vmul.f32 v3, v7;
	v5 =	vmul.f32 v5, v7;
	v7 =	vld.idx.msk [tilespmem:v57+s16+$0x0], $0xffff  }
0x15f: {  	v57 =	vld.idx.msk [tilespmem:v56+s15+$0x0], $0xffff  }
0x160: {  	v2 =	vmul.f32 v2, v46;
	v46 =	vmul.f32 v59, v46;
	v59 =	vld.idx.msk [tilespmem:v56+s14+$0x0], $0xffff;
	v3 =	vadd.f32 $0.0e+00, v3  }
0x161: {  	v0 =	vmul.f32 v0, v60;
	v60 =	vmul.f32 v58, v60;
	v58 =	vld.idx.msk [tilespmem:v53+s16+$0x0], $0xffff  }
0x162: {  	v5 =	vadd.f32 $0.0e+00, v5;
	v2 =	vadd.f32 v2, v3;
	v3 =	vld.idx.msk [tilespmem:v56+s16+$0x0], $0xffff  }
0x163: {  	v56 =	vld.idx.msk [tilespmem:v55+s14+$0x0], $0xffff  }
0x164: {  	v5 =	vadd.f32 v46, v5;
	v46 =	vld.idx.msk [tilespmem:v53+s14+$0x0], $0xffff  }
0x165: {  	v53 =	vld.idx.msk [tilespmem:v38+s16+$0x0], $0xffff  }
0x166: {  	v61 =	vmul.f32 v61, v62;
	v7 =	vmul.f32 v7, v62;
	v62 =	vld.idx.msk [tilespmem:v51+s16+$0x0], $0xffff  }
0x167: {  	v0 =	vadd.f32 v0, v2;
	v2 =	vld.idx.msk [tilespmem:v55+s16+$0x0], $0xffff  }
0x168: {  	v5 =	vadd.f32 v60, v5;
	v60 =	vmul.f32 v57, v59;
	v57 =	vld.idx.msk [tilespmem:v49+s16+$0x0], $0xffff  }
0x169: {  	v55 =	vld.idx.msk [tilespmem:v36+s16+$0x0], $0xffff;
	v0 =	vadd.f32 v61, v0  }
0x16a: {  	v5 =	vadd.f32 v7, v5;
	v61 =	vld.idx.msk [tilespmem:v51+s14+$0x0], $0xffff;
	v3 =	vmul.f32 v3, v59  }
0x16b: {  	v51 =	vld.idx.msk [tilespmem:v40+s16+$0x0], $0xffff;
	v54 =	vmul.f32 v54, v56;
	v0 =	vadd.f32 v60, v0  }
0x16c: {  	v3 =	vadd.f32 v3, v5;
	v2 =	vmul.f32 v2, v56;
	v56 =	vld.idx.msk [tilespmem:v49+s14+$0x0], $0xffff  }
0x16d: {  	v52 =	vmul.f32 v52, v46;
	v59 =	vld.idx.msk [tilespmem:v47+s16+$0x0], $0xffff;
	v0 =	vadd.f32 v54, v0  }
0x16e: {  	v2 =	vadd.f32 v2, v3;
	v3 =	vmul.f32 v58, v46;
	v58 =	vld.idx.msk [tilespmem:v47+s14+$0x0], $0xffff  }
0x16f: {  	v60 =	vld.idx.msk [tilespmem:v44+s14+$0x0], $0xffff;
	v50 =	vmul.f32 v50, v61;
	v0 =	vadd.f32 v52, v0  }
0x170: {  	v49 =	vld.idx.msk [tilespmem:v42+s16+$0x0], $0xffff;
	v2 =	vadd.f32 v3, v2;
	v3 =	vmul.f32 v62, v61  }
0x171: {  	v61 =	vld.idx.msk [tilespmem:v44+s16+$0x0], $0xffff;
	v0 =	vadd.f32 v50, v0;
	v48 =	vmul.f32 v48, v56  }
0x172: {  	v62 =	vld.idx.msk [tilespmem:v42+s14+$0x0], $0xffff;
	v2 =	vadd.f32 v3, v2;
	v3 =	vmul.f32 v57, v56  }
0x173: {  	v54 =	vld.idx.msk [tilespmem:v36+s14+$0x0], $0xffff;
	v0 =	vadd.f32 v48, v0;
	v45 =	vmul.f32 v45, v58  }
0x174: {  	v50 =	vld.idx.msk [tilespmem:v40+s14+$0x0], $0xffff;
	v2 =	vadd.f32 v3, v2;
	v3 =	vmul.f32 v59, v58  }
0x175: {  	v36 =	vld.idx.msk [tilespmem:v26+s16+$0x0], $0xffff;
	v43 =	vmul.f32 v43, v60;
	v0 =	vadd.f32 v45, v0  }
0x176: {  	v52 =	vld.idx.msk [tilespmem:v38+s14+$0x0], $0xffff;
	v2 =	vadd.f32 v3, v2;
	v3 =	vmul.f32 v61, v60  }
0x177: {  	v46 =	vld.idx.msk [tilespmem:v16+s16+$0x0], $0xffff;
	v41 =	vmul.f32 v41, v62;
	v0 =	vadd.f32 v43, v0  }
0x178: {  	v47 =	vld.idx.msk [tilespmem:v14+s14+$0x0], $0xffff;
	v2 =	vadd.f32 v3, v2;
	v3 =	vmul.f32 v49, v62  }
0x179: {  	v38 =	vld.idx.msk [tilespmem:v24+s16+$0x0], $0xffff;
	v39 =	vmul.f32 v39, v50;
	v0 =	vadd.f32 v41, v0  }
0x17a: {  	v56 =	vld.idx.msk [tilespmem:v34+s14+$0x0], $0xffff;
	v2 =	vadd.f32 v3, v2;
	v3 =	vmul.f32 v51, v50  }
0x17b: {  	v57 =	vld.idx.msk [tilespmem:v34+s16+$0x0], $0xffff;
	v37 =	vmul.f32 v37, v52;
	v0 =	vadd.f32 v39, v0  }
0x17c: {  	v58 =	vld.idx.msk [tilespmem:v32+s14+$0x0], $0xffff;
	v2 =	vadd.f32 v3, v2;
	v3 =	vmul.f32 v53, v52  }
0x17d: {  	v35 =	vmul.f32 v35, v54;
	v59 =	vld.idx.msk [tilespmem:v32+s16+$0x0], $0xffff;
	v0 =	vadd.f32 v37, v0  }
0x17e: {  	v60 =	vld.idx.msk [tilespmem:v30+s14+$0x0], $0xffff;
	v2 =	vadd.f32 v3, v2;
	v3 =	vmul.f32 v55, v54  }
0x17f: {  	v61 =	vld.idx.msk [tilespmem:v30+s16+$0x0], $0xffff;
	v33 =	vmul.f32 v33, v56;
	v0 =	vadd.f32 v35, v0  }
0x180: {  	v62 =	vld.idx.msk [tilespmem:v28+s14+$0x0], $0xffff;
	v2 =	vadd.f32 v3, v2;
	v3 =	vmul.f32 v57, v56  }
0x181: {  	v31 =	vmul.f32 v31, v58;
	v0 =	vadd.f32 v33, v0;
	v33 =	vld.idx.msk [tilespmem:v28+s16+$0x0], $0xffff  }
0x182: {  	v35 =	vld.idx.msk [tilespmem:v26+s14+$0x0], $0xffff;
	v2 =	vadd.f32 v3, v2;
	v3 =	vmul.f32 v59, v58  }
0x183: {  	v42 =	vld.idx.msk [tilespmem:v20+s16+$0x0], $0xffff;
	v29 =	vmul.f32 v29, v60;
	v0 =	vadd.f32 v31, v0  }
0x184: {  	v37 =	vld.idx.msk [tilespmem:v24+s14+$0x0], $0xffff;
	v2 =	vadd.f32 v3, v2;
	v3 =	vmul.f32 v61, v60  }
0x185: {  	v44 =	vld.idx.msk [tilespmem:v18+s16+$0x0], $0xffff;
	v27 =	vmul.f32 v27, v62;
	v0 =	vadd.f32 v29, v0  }
0x186: {  	v39 =	vld.idx.msk [tilespmem:v22+s14+$0x0], $0xffff;
	v2 =	vadd.f32 v3, v2;
	v3 =	vmul.f32 v33, v62  }
0x187: {  	v40 =	vld.idx.msk [tilespmem:v22+s16+$0x0], $0xffff;
	v25 =	vmul.f32 v25, v35;
	v0 =	vadd.f32 v27, v0  }
0x188: {  	v41 =	vld.idx.msk [tilespmem:v20+s14+$0x0], $0xffff;
	v2 =	vadd.f32 v3, v2;
	v3 =	vmul.f32 v36, v35  }
0x189: {  	v48 =	vld.idx.msk [tilespmem:v14+s16+$0x0], $0xffff;
	v23 =	vmul.f32 v23, v37;
	v0 =	vadd.f32 v25, v0  }
0x18a: {  	v43 =	vld.idx.msk [tilespmem:v18+s14+$0x0], $0xffff;
	v2 =	vadd.f32 v3, v2;
	v3 =	vmul.f32 v38, v37  }
0x18b: {  	v45 =	vld.idx.msk [tilespmem:v16+s14+$0x0], $0xffff;
	v21 =	vmul.f32 v21, v39;
	v0 =	vadd.f32 v23, v0  }
0x18c: {  	v49 =	vld.idx.msk [tilespmem:v12+s14+$0x0], $0xffff;
	v2 =	vadd.f32 v3, v2;
	v3 =	vmul.f32 v40, v39  }
0x18d: {  	v50 =	vld.idx.msk [tilespmem:v12+s16+$0x0], $0xffff;
	v19 =	vmul.f32 v19, v41;
	v0 =	vadd.f32 v21, v0  }
0x18e: {  	v51 =	vld.idx.msk [tilespmem:v10+s14+$0x0], $0xffff;
	v2 =	vadd.f32 v3, v2;
	v3 =	vmul.f32 v42, v41  }
0x18f: {  	v17 =	vmul.f32 v17, v43;
	v52 =	vld.idx.msk [tilespmem:v10+s16+$0x0], $0xffff;
	v0 =	vadd.f32 v19, v0  }
0x190: {  	v53 =	vld.idx.msk [tilespmem:v8+s14+$0x0], $0xffff;
	v2 =	vadd.f32 v3, v2;
	v3 =	vmul.f32 v44, v43  }
0x191: {  	v15 =	vmul.f32 v15, v45;
	v54 =	vld.idx.msk [tilespmem:v8+s16+$0x0], $0xffff;
	v0 =	vadd.f32 v17, v0  }
0x192: {  	v55 =	vld.idx.msk [tilespmem:v6+s14+$0x0], $0xffff;
	v2 =	vadd.f32 v3, v2;
	v3 =	vmul.f32 v46, v45  }
0x193: {  	v13 =	vmul.f32 v13, v47;
	v56 =	vld.idx.msk [tilespmem:v6+s16+$0x0], $0xffff;
	v0 =	vadd.f32 v15, v0  }
0x194: {  	v57 =	vld.idx.msk [tilespmem:v4+s14+$0x0], $0xffff;
	v2 =	vadd.f32 v3, v2;
	v3 =	vmul.f32 v48, v47  }
0x195: {  	v11 =	vmul.f32 v11, v49;
	v59 =	vld [tilespmem:$0x1FFE0];
	v0 =	vadd.f32 v13, v0  }
0x196: {  	v61 =	vld [tilespmem:$0x1FFD0];
	v2 =	vadd.f32 v3, v2;
	v3 =	vmul.f32 v50, v49  }
0x197: {  	v9 =	vmul.f32 v9, v51;
	v58 =	vld.idx.msk [tilespmem:v4+s16+$0x0], $0xffff;
	v0 =	vadd.f32 v11, v0  }
0x198: {  	v62 =	vld [tilespmem:$0x1FFC0];
	v2 =	vadd.f32 v3, v2;
	v3 =	vmul.f32 v52, v51  }
0x199: {  	v60 =	vld.idx.msk [tilespmem:v1+s14+$0x0], $0xffff;
	v0 =	vadd.f32 v9, v0  }
0x19a: {  	v1 =	vld.idx.msk [tilespmem:v1+s16+$0x0], $0xffff;
	v9 =	vmul.f32 v59, v53;
	v2 =	vadd.f32 v3, v2;
	v3 =	vmul.f32 v54, v53  }
0x19b: {  	v8 =	vmul.f32 v61, v55  }
0x19c: {  	v0 =	vadd.f32 v9, v0;
	v2 =	vadd.f32 v3, v2;
	v3 =	vmul.f32 v56, v55  }
0x19d: {  	v5 =	vmul.f32 v62, v57  }
0x19e: {  	v0 =	vadd.f32 v8, v0;
	v2 =	vadd.f32 v3, v2;
	v3 =	vmul.f32 v58, v57  }
0x19f: {  	v1 =	vmul.f32 v1, v60  }
0x1a0: {  	v0 =	vadd.f32 v5, v0;
	v2 =	vadd.f32 v3, v2;
	v3 =	vmul.f32 v63, v60;
	_ =	sdelay $0x1  }
0x1a1: {  	v0 =	vadd.f32 v3, v0;
	v1 =	vadd.f32 v1, v2;
	_ =	sdelay $0x1  }
0x1a2: {  	s20 =	sadd.s32 $0x1, s20;
	v0 =	vsub.f32 v1, v0  }
0x1a3: {  	s21 =	sadd.s32 $0x10, s21;
	p0 =	sne.s32 s20, s9  }
.Ltmp1:
0x1a4: {  	[tilespmem:s21+$0x0] =	vst v0;
	(pc) =	sbr.rel @p0 .LBB2_1-.Ltmp1, $4  }
0x1a5: {  	[hbm4b:s8+s1] =	stream.linear.scatter [tilespmem:s19], [sflag:$0x2], $0x200, $0x38;
	[tilespmem:$0xC800] =	vst v63  }
0x1a6: {  	_ =	swait.ge [sflag:s10], $0x200  }
0x1a7: {  	[sflag:s10] =	ssyncset.done $0x0  }
0x1a8: {  	v0 =	vld [tilespmem:$0x1FFF0];
	[sflag:s10] =	ssyncadd.s32 $0xFFFFFE00  }
0x1a9: {  	_ =	sfence.sel $0x180000  }
0x1aa: {  	[bflag:$0x0] =	sbarrier.arrive $0xFFFF  }
0x1ab: {  	_ =	strace $0x90000047  }
0x1ac: {  	s0 =	stileid.u32;
	[bflag:$0x2] =	sbarrier.arrive $0xFFFF  }
0x1ad: {  	p0 =	sne.s32 s0, $0x0;
	s0 =	rddreg [dreg:$0x5]  }
0x1ae: {  	s0 =	sadd.s32 @!p0 $0x100000, s0  }
0x1af: {  	[sflag:s0] =	ssyncadd.tile.s32 @!p0 $0x1;
	_ =	shalt  }
.Lfunc_end2:
_tile_overlayer_lowered:
.L_overlay_start_2:
0x1b0: {  	(tag) =	ssettag $0x2  }
0x1b1: {  	s0 =	rddreg [dreg:$0x0];
	s2 =	stileid.u32  }
0x1b2: {  	s1 =	rddreg [dreg:$0x1];
	p0 =	sne.s32 s2, $0x0  }
0x1b3: {  	s3 =	rddreg [dreg:$0x2];
	[bflag:$0x3] =	sbarrier.arrive $0xFFFF;
	s2 =	simm.s32 @!p0 $0x1C02  }
0x1b4: {  	[timem:s3], [sflag:s2] =	dma.local @!p0 [hbm:s0], s1  }
0x1b5: {  	s0 =	simm.s32 @!p0 $0x2  }
0x1b6: {  	_ =	swait.ge @!p0 [sflag:s0], s1  }
0x1b7: {  	s1 =	ssub.s32 @!p0 $0x0, s1;
	[sflag:s0] =	ssyncset.done @!p0 $0x0  }
0x1b8: {  	[sflag:s0] =	ssyncadd.s32 @!p0 s1  }
0x1b9: {  	[bflag:$0x3] =	sbarrier.arrive $0xFFFF  }
0x1ba: {  	_ =	shalt  }

</sc_bundles>
